<compile_context>
chip_gen: v7x
topology: tpu7x:2x2x1
jax: 0.10.2.dev20260603
libtpu: 0.0.44.dev20260713+nightly
codegen_flags: <defaults>
</compile_context>

<pallas_src>
import functools

import jax
import jax.numpy as jnp
from jax import lax
from jax.experimental import pallas as pl
from jax.experimental.pallas import tpu as pltpu
from jax.experimental.pallas import tpu_sc as plsc

N = 10000
E = 320000
H = 128

NC = 2
NS = 16
NW = NC * NS
EPW = E // NW
CHUNK = 80
NCHUNK = EPW // CHUNK
NPAIR = NCHUNK // 2
NP = 10240
RPT = NP // NS
ZROWS = RPT


def _sc_agg_body(with_counts, t_hbm, src_hbm, dst_hbm, zrow_hbm, zcnt_hbm,
                 one_hbm, *rest):
    if with_counts:
        (out_sum, out_cnt, acc, acc_cnt, srcv, dstv, onev, rows_a, rows_b,
         gs_a, gs_b, gs_z, gs_i, gs_c) = rest
    else:
        (out_sum, acc, srcv, dstv, rows_a, rows_b, gs_a, gs_b, gs_z,
         gs_i) = rest
    cid = lax.axis_index("c")
    sid = lax.axis_index("s")
    wid = cid * NS + sid

    zrow_dst = acc.at[pl.ds(sid * RPT, RPT), :]
    pltpu.async_copy(zrow_hbm, zrow_dst, gs_z)
    zcnt_dst = None
    if with_counts:
        zcnt_dst = acc_cnt.at[pl.ds(sid * RPT, RPT)]
        pltpu.async_copy(zcnt_hbm, zcnt_dst, gs_z)
        pltpu.sync_copy(one_hbm, onev)

    src_slab = src_hbm.at[pl.ds(pl.multiple_of(wid * EPW, 8), EPW)]
    pltpu.async_copy(src_slab, srcv, gs_i)
    pltpu.async_copy(dst_hbm.at[wid], dstv, gs_i)
    pltpu.make_async_copy(src_slab, srcv, gs_i).wait()
    pltpu.make_async_copy(dst_hbm.at[wid], dstv, gs_i).wait()
    pltpu.async_copy(t_hbm.at[srcv.at[pl.ds(0, CHUNK)]], rows_a, gs_a)

    pltpu.make_async_copy(zrow_hbm, zrow_dst, gs_z).wait()
    if with_counts:
        pltpu.make_async_copy(zcnt_hbm, zcnt_dst, gs_z).wait()
    plsc.subcore_barrier()

    def gather(c, buf, sem):
        idx = srcv.at[pl.ds(c * CHUNK, CHUNK)]
        return pltpu.async_copy(t_hbm.at[idx], buf, sem)

    def gwait(buf, sem):
        pltpu.make_async_copy(t_hbm.at[srcv.at[pl.ds(0, CHUNK)]],
                              buf, sem).wait()

    def scat(c, buf):
        pltpu.sync_copy(buf, acc.at[dstv.at[c]], add=True)
        if with_counts:
            pltpu.async_copy(onev, acc_cnt.at[dstv.at[c]], add=True,
                             sem=gs_c)

    def pair(g, carry):
        c0 = g * 2
        gather(c0 + 1, rows_b, gs_b)
        gwait(rows_a, gs_a)
        scat(c0, rows_a)
        gather(c0 + 2, rows_a, gs_a)
        gwait(rows_b, gs_b)
        scat(c0 + 1, rows_b)
        return carry

    lax.fori_loop(0, NPAIR, pair, 0)
    gwait(rows_a, gs_a)
    scat(NCHUNK - 1, rows_a)
    if with_counts:
        pltpu.make_async_copy(src_slab, srcv, gs_c).wait()
    plsc.subcore_barrier()

    pltpu.sync_copy(acc.at[pl.ds(sid * RPT, RPT), :],
                    out_sum.at[cid, pl.ds(sid * RPT, RPT), :])
    if with_counts:
        pltpu.sync_copy(acc_cnt.at[pl.ds(sid * RPT, RPT)],
                        out_cnt.at[cid, pl.ds(sid * RPT, RPT)])


_SUM_T = jax.ShapeDtypeStruct((NC, NP, H), jnp.float32)
_CNT_T = jax.ShapeDtypeStruct((NC, NP), jnp.float32)

_SCRATCH_COMMON = dict(
    acc=pltpu.VMEM_SHARED((NP, H), jnp.float32),
    srcv=pltpu.VMEM((EPW,), jnp.int32),
    dstv=pltpu.VMEM((NCHUNK, CHUNK), jnp.int32),
    rows_a=pltpu.VMEM((CHUNK, H), jnp.float32),
    rows_b=pltpu.VMEM((CHUNK, H), jnp.float32),
)

_SCRATCH_C = [
    _SCRATCH_COMMON["acc"],
    pltpu.VMEM_SHARED((NP,), jnp.float32),
    _SCRATCH_COMMON["srcv"],
    _SCRATCH_COMMON["dstv"],
    pltpu.VMEM((CHUNK,), jnp.float32),
    _SCRATCH_COMMON["rows_a"],
    _SCRATCH_COMMON["rows_b"],
    pltpu.SemaphoreType.DMA,
    pltpu.SemaphoreType.DMA,
    pltpu.SemaphoreType.DMA,
    pltpu.SemaphoreType.DMA,
    pltpu.SemaphoreType.DMA,
]

@functools.cache
def _get_sc_aggs():
    mesh = plsc.VectorSubcoreMesh(
        core_axis_name="c", subcore_axis_name="s",
        num_cores=NC, num_subcores=NS)
    agg_c = pl.kernel(functools.partial(_sc_agg_body, True),
                      out_type=(_SUM_T, _CNT_T), mesh=mesh,
                      scratch_types=_SCRATCH_C)
    return agg_c, agg_c



def _pre_body(x_ref, w_ref, b_ref, o_ref):
    v = jnp.dot(x_ref[...], w_ref[...],
                preferred_element_type=jnp.float32) + b_ref[...]
    o_ref[...] = jnp.where(v >= 0, v, 0.01 * v)


def _combine_body(ps_ref, pc_ref, h_ref, wl_ref, bl_ref, wr_ref, o_ref):
    s = ps_ref[0, :N] + ps_ref[1, :N]
    c = jnp.maximum(pc_ref[0, :N] + pc_ref[1, :N], 1.0)
    agg = s / c
    v = (jnp.dot(agg, wl_ref[...], preferred_element_type=jnp.float32)
         + bl_ref[...]
         + jnp.dot(h_ref[...], wr_ref[...], preferred_element_type=jnp.float32))
    o_ref[...] = jnp.where(v >= 0, v, 0.01 * v) + h_ref[...]


def _combine_post_body(ps_ref, pc_ref, h_ref, wl_ref, bl_ref, wr_ref,
                       wp_ref, bp_ref, o_ref):
    s = ps_ref[0, :N] + ps_ref[1, :N]
    c = jnp.maximum(pc_ref[0, :N] + pc_ref[1, :N], 1.0)
    agg = s / c
    v = (jnp.dot(agg, wl_ref[...], preferred_element_type=jnp.float32)
         + bl_ref[...]
         + jnp.dot(h_ref[...], wr_ref[...], preferred_element_type=jnp.float32))
    h2 = jnp.where(v >= 0, v, 0.01 * v) + h_ref[...]
    o_ref[...] = jnp.dot(h2, wp_ref[...],
                         preferred_element_type=jnp.float32) + bp_ref[...]


_NH = jax.ShapeDtypeStruct((N, H), jnp.float32)

_tc_pre = pl.pallas_call(_pre_body, out_shape=_NH)
_tc_combine = pl.pallas_call(_combine_body, out_shape=_NH)
_tc_combine_post = pl.pallas_call(_combine_post_body, out_shape=_NH)


def kernel(x, edge_index, W_pre, b_pre, Wl0, bl0, Wr0, Wl1, bl1, Wr1,
           W_post, b_post):
    src = edge_index[0]
    dst = edge_index[1].reshape(NW, NCHUNK, CHUNK)
    zrow = jnp.zeros((RPT, H), jnp.float32)
    zcnt = jnp.zeros((RPT,), jnp.float32)
    ones = jnp.ones((CHUNK,), jnp.float32)

    agg_c, agg_n = _get_sc_aggs()
    h0 = _tc_pre(x, W_pre, b_pre.reshape(1, H))
    ps0, pc0 = agg_c(h0, src, dst, zrow, zcnt, ones)
    pc = pc0.reshape(NC, NP, 1)
    h1 = _tc_combine(ps0, pc, h0, Wl0, bl0.reshape(1, H), Wr0)
    ps1, _ = agg_n(h1, src, dst, zrow, zcnt, ones)
    return _tc_combine_post(ps1, pc, h1, Wl1, bl1.reshape(1, H), Wr1,
                            W_post, b_post.reshape(1, H))

# --- scband reference (transcript-rebuilt; emitter-appended) ---
"""Pipeline reference for scband-base-encoder-38757784879438 (READ-ONLY COPY).

The authoritative reference and input builder live on the scoring server;
editing this copy changes nothing except your own understanding.
"""

import jax, jax.numpy as jnp
import numpy as np

N = 10000
E = 320000
D = 128
H = 128


def setup_inputs(seed: int = 0) -> dict:
    key = jax.random.key(seed)
    ks = jax.random.split(key, 14)

    def w(k, shape, fan_in):
        return jax.random.normal(k, shape, dtype=jnp.float32) * (1.0 / np.sqrt(fan_in))

    return {
        "x": jax.random.normal(ks[0], (N, D), dtype=jnp.float32),
        "edge_index": jax.random.randint(ks[1], (2, E), 0, N, dtype=jnp.int32),
        "W_pre": w(ks[2], (D, H), D),
        "b_pre": jnp.zeros((H,), jnp.float32),
        "Wl0": w(ks[3], (H, H), H),
        "bl0": jnp.zeros((H,), jnp.float32),
        "Wr0": w(ks[4], (H, H), H),
        "Wl1": w(ks[5], (H, H), H),
        "bl1": jnp.zeros((H,), jnp.float32),
        "Wr1": w(ks[6], (H, H), H),
        "W_post": w(ks[7], (H, H), H),
        "b_post": jnp.zeros((H,), jnp.float32),
    }


def _leaky(v):
    # torch.nn.LeakyReLU default negative_slope=0.01
    return jnp.where(v >= 0, v, 0.01 * v)


def reference(x, edge_index, W_pre, b_pre, Wl0, bl0, Wr0, Wl1, bl1, Wr1, W_post, b_post):
    src = edge_index[0]
    dst = edge_index[1]

    def sage_conv(h, Wl, bl, Wr):
        # SAGEConv with aggr='mean': lin_l(mean_{j in N(i)} h_j) + lin_r(h_i)
        msg = h[src]  # gather over edges
        summed = jax.ops.segment_sum(msg, dst, num_segments=N)
        cnt = jax.ops.segment_sum(jnp.ones((E, 1), jnp.float32), dst, num_segments=N)
        agg = summed / jnp.clip(cnt, 1.0, None)
        return agg @ Wl + bl + h @ Wr

    # pre_mlp: single LazyLinear(out_dim) + LeakyReLU (activate_last=True, bn=False, dropout=0)
    h = _leaky(x @ W_pre + b_pre)

    # msg-passing layer 0: conv -> LeakyReLU -> skipsum
    identity = h
    out = sage_conv(h, Wl0, bl0, Wr0)
    out = _leaky(out)
    h = out + identity

    # msg-passing layer 1: conv -> LeakyReLU -> skipsum
    identity = h
    out = sage_conv(h, Wl1, bl1, Wr1)
    out = _leaky(out)
    h = out + identity

    # post_mlp: single Linear, no final activation (activate_last=False)
    return h @ W_post + b_post

if __name__ == "__main__":
    import jax
    _d = setup_inputs()
    print(jax.jit(kernel)(*tuple(_d.values())))

</pallas_src>

<mosaic_0001>
#map = affine_map<(d0, d1) -> (0, 0)>
#map1 = affine_map<(d0, d1) -> (0)>
#map2 = affine_map<(d0, d1) -> (0, 0, 0)>
module attributes {stable_mosaic.version = 14 : i64} {
  func.func @_sc_agg_body(%arg0: i32, %arg1: i32, %arg2: memref<10000x128xf32, #tpu.memory_space<hbm>>, %arg3: memref<320000xi32, #tpu.memory_space<hbm>>, %arg4: memref<32x125x80xi32, #tpu.memory_space<hbm>>, %arg5: memref<640x128xf32, #tpu.memory_space<hbm>>, %arg6: memref<640xf32, #tpu.memory_space<hbm>>, %arg7: memref<80xf32, #tpu.memory_space<hbm>>, %arg8: memref<2x10240x128xf32, #tpu.memory_space<hbm>>, %arg9: memref<2x10240xf32, #tpu.memory_space<hbm>>, %arg10: memref<10240x128xf32, #tpu.memory_space<vmem_shared>>, %arg11: memref<10240xf32, #tpu.memory_space<vmem_shared>>, %arg12: memref<10000xi32, #tpu.memory_space<vmem>>, %arg13: memref<125x80xi32, #tpu.memory_space<vmem>>, %arg14: memref<80xf32, #tpu.memory_space<vmem>>, %arg15: memref<80x128xf32, #tpu.memory_space<vmem>>, %arg16: memref<80x128xf32, #tpu.memory_space<vmem>>, %arg17: memref<!tpu.dma_semaphore, #tpu.memory_space<semaphore_mem>>, %arg18: memref<!tpu.dma_semaphore, #tpu.memory_space<semaphore_mem>>, %arg19: memref<!tpu.dma_semaphore, #tpu.memory_space<semaphore_mem>>, %arg20: memref<!tpu.dma_semaphore, #tpu.memory_space<semaphore_mem>>, %arg21: memref<!tpu.dma_semaphore, #tpu.memory_space<semaphore_mem>>) attributes {dimension_semantics = [#tpu.dimension_semantics<core_parallel>, #tpu.dimension_semantics<subcore_parallel>], iteration_bounds = array<i64: 2, 16>, scalar_prefetch = 0 : i64, scratch_operands = 12 : i64, tpu.core_type = #tpu.core_type<sc_vector_subcore>, window_params = [{transform_indices = #map}, {transform_indices = #map1}, {transform_indices = #map2}, {transform_indices = #map}, {transform_indices = #map1}, {transform_indices = #map1}, {transform_indices = #map2}, {transform_indices = #map}]} {
    %mul3A = arith.constant 16 : i32
    %mul3A_0 = arith.muli %arg0, %mul3A : i32
    %add3A = arith.addi %mul3A_0, %arg1 : i32
    %mul3A_1 = arith.constant 640 : i32
    %mul3A_2 = arith.muli %arg1, %mul3A_1 : i32
    %dma_start3A = arith.constant 0 : i32
    %dma_start3A_3 = tpu.memref_slice %arg10[%mul3A_2, %dma_start3A] : memref<10240x128xf32, #tpu.memory_space<vmem_shared>> -> memref<640x128xf32, #tpu.memory_space<vmem_shared>>
    tpu.enqueue_dma source(%arg5 : memref<640x128xf32, #tpu.memory_space<hbm>>) target(%dma_start3A_3 : memref<640x128xf32, #tpu.memory_space<vmem_shared>>) target_semaphore(%arg19 : memref<!tpu.dma_semaphore, #tpu.memory_space<semaphore_mem>>)
    %mul3A_4 = arith.constant 640 : i32
    %mul3A_5 = arith.muli %arg1, %mul3A_4 : i32
    %dma_start3A_6 = tpu.memref_slice %arg11[%mul3A_5] : memref<10240xf32, #tpu.memory_space<vmem_shared>> -> memref<640xf32, #tpu.memory_space<vmem_shared>>
    tpu.enqueue_dma source(%arg6 : memref<640xf32, #tpu.memory_space<hbm>>) target(%dma_start3A_6 : memref<640xf32, #tpu.memory_space<vmem_shared>>) target_semaphore(%arg19 : memref<!tpu.dma_semaphore, #tpu.memory_space<semaphore_mem>>)
    "tpu.region"() ({
      %run_scoped3A_63 = tpu.sem_alloc : memref<!tpu.dma_semaphore, #tpu.memory_space<semaphore_mem>>
      tpu.enqueue_dma source(%arg7 : memref<80xf32, #tpu.memory_space<hbm>>) target(%arg14 : memref<80xf32, #tpu.memory_space<vmem>>) target_semaphore(%run_scoped3A_63 : memref<!tpu.dma_semaphore, #tpu.memory_space<semaphore_mem>>)
      tpu.wait_dma2 semaphore(%run_scoped3A_63 : memref<!tpu.dma_semaphore, #tpu.memory_space<semaphore_mem>>) src(%arg7 : memref<80xf32, #tpu.memory_space<hbm>>) dst(%arg14 : memref<80xf32, #tpu.memory_space<vmem>>)
      tpu.yield
    }) : () -> ()
    %mul3A_7 = arith.constant 10000 : i32
    %mul3A_8 = arith.muli %add3A, %mul3A_7 : i32
    %multiple_of3A = tpu.assume_multiple %mul3A_8, 8 : i32
    %dma_start3A_9 = tpu.memref_slice %arg3[%multiple_of3A] : memref<320000xi32, #tpu.memory_space<hbm>> -> memref<10000xi32, #tpu.memory_space<hbm>>
    %dma_start3A_10 = tpu.memref_slice %arg3[%multiple_of3A] : memref<320000xi32, #tpu.memory_space<hbm>> -> memref<10000xi32, #tpu.memory_space<hbm>>
    tpu.enqueue_dma source(%dma_start3A_10 : memref<10000xi32, #tpu.memory_space<hbm>>) target(%arg12 : memref<10000xi32, #tpu.memory_space<vmem>>) target_semaphore(%arg20 : memref<!tpu.dma_semaphore, #tpu.memory_space<semaphore_mem>>)
    %dma_start3A_11 = arith.constant 0 : i32
    %dma_start3A_12 = arith.constant 0 : i32
    %dma_start3A_13 = tpu.memref_slice %arg4[%add3A, %dma_start3A_11, %dma_start3A_12] : memref<32x125x80xi32, #tpu.memory_space<hbm>> -> memref<1x125x80xi32, #tpu.memory_space<hbm>>
    %dma_start3A_14 = tpu.memref_squeeze %dma_start3A_13 : memref<1x125x80xi32, #tpu.memory_space<hbm>> -> memref<125x80xi32, #tpu.memory_space<hbm>>
    %dma_start3A_15 = arith.constant 0 : i32
    %dma_start3A_16 = arith.constant 0 : i32
    %dma_start3A_17 = tpu.memref_slice %arg4[%add3A, %dma_start3A_15, %dma_start3A_16] : memref<32x125x80xi32, #tpu.memory_space<hbm>> -> memref<1x125x80xi32, #tpu.memory_space<hbm>>
    %dma_start3A_18 = tpu.memref_squeeze %dma_start3A_17 : memref<1x125x80xi32, #tpu.memory_space<hbm>> -> memref<125x80xi32, #tpu.memory_space<hbm>>
    tpu.enqueue_dma source(%dma_start3A_18 : memref<125x80xi32, #tpu.memory_space<hbm>>) target(%arg13 : memref<125x80xi32, #tpu.memory_space<vmem>>) target_semaphore(%arg20 : memref<!tpu.dma_semaphore, #tpu.memory_space<semaphore_mem>>)
    %dma_wait3A = tpu.memref_slice %arg3[%multiple_of3A] : memref<320000xi32, #tpu.memory_space<hbm>> -> memref<10000xi32, #tpu.memory_space<hbm>>
    %dma_wait3A_19 = tpu.memref_slice %arg3[%multiple_of3A] : memref<320000xi32, #tpu.memory_space<hbm>> -> memref<10000xi32, #tpu.memory_space<hbm>>
    tpu.wait_dma2 semaphore(%arg20 : memref<!tpu.dma_semaphore, #tpu.memory_space<semaphore_mem>>) src(%dma_wait3A_19 : memref<10000xi32, #tpu.memory_space<hbm>>) dst(%arg12 : memref<10000xi32, #tpu.memory_space<vmem>>)
    %dma_wait3A_20 = arith.constant 0 : i32
    %dma_wait3A_21 = arith.constant 0 : i32
    %dma_wait3A_22 = tpu.memref_slice %arg4[%add3A, %dma_wait3A_20, %dma_wait3A_21] : memref<32x125x80xi32, #tpu.memory_space<hbm>> -> memref<1x125x80xi32, #tpu.memory_space<hbm>>
    %dma_wait3A_23 = tpu.memref_squeeze %dma_wait3A_22 : memref<1x125x80xi32, #tpu.memory_space<hbm>> -> memref<125x80xi32, #tpu.memory_space<hbm>>
    %dma_wait3A_24 = arith.constant 0 : i32
    %dma_wait3A_25 = arith.constant 0 : i32
    %dma_wait3A_26 = tpu.memref_slice %arg4[%add3A, %dma_wait3A_24, %dma_wait3A_25] : memref<32x125x80xi32, #tpu.memory_space<hbm>> -> memref<1x125x80xi32, #tpu.memory_space<hbm>>
    %dma_wait3A_27 = tpu.memref_squeeze %dma_wait3A_26 : memref<1x125x80xi32, #tpu.memory_space<hbm>> -> memref<125x80xi32, #tpu.memory_space<hbm>>
    tpu.wait_dma2 semaphore(%arg20 : memref<!tpu.dma_semaphore, #tpu.memory_space<semaphore_mem>>) src(%dma_wait3A_27 : memref<125x80xi32, #tpu.memory_space<hbm>>) dst(%arg13 : memref<125x80xi32, #tpu.memory_space<vmem>>)
    %dma_start3A_28 = arith.constant 0 : i32
    %dma_start3A_29 = tpu.memref_slice %arg12[%dma_start3A_28] : memref<10000xi32, #tpu.memory_space<vmem>> -> memref<80xi32, #tpu.memory_space<vmem>>
    %dma_start3A_30 = arith.constant 0 : i32
    %dma_start3A_31 = arith.constant 0 : i32
    %dma_start3A_32 = tpu.memref_slice %arg2[%dma_start3A_30, %dma_start3A_31] : memref<10000x128xf32, #tpu.memory_space<hbm>> -> memref<10000x128xf32, #tpu.memory_space<hbm>>
    tpu.enqueue_indirect_dma source(%dma_start3A_32 : memref<10000x128xf32, #tpu.memory_space<hbm>>) target(%arg15 : memref<80x128xf32, #tpu.memory_space<vmem>>) offsets(%dma_start3A_29 : memref<80xi32, #tpu.memory_space<vmem>>) semaphore(%arg17 : memref<!tpu.dma_semaphore, #tpu.memory_space<semaphore_mem>>)
    %dma_wait3A_33 = arith.constant 0 : i32
    %dma_wait3A_34 = tpu.memref_slice %arg10[%mul3A_2, %dma_wait3A_33] : memref<10240x128xf32, #tpu.memory_space<vmem_shared>> -> memref<640x128xf32, #tpu.memory_space<vmem_shared>>
    tpu.wait_dma2 semaphore(%arg19 : memref<!tpu.dma_semaphore, #tpu.memory_space<semaphore_mem>>) src(%arg5 : memref<640x128xf32, #tpu.memory_space<hbm>>) dst(%dma_wait3A_34 : memref<640x128xf32, #tpu.memory_space<vmem_shared>>)
    %dma_wait3A_35 = tpu.memref_slice %arg11[%mul3A_5] : memref<10240xf32, #tpu.memory_space<vmem_shared>> -> memref<640xf32, #tpu.memory_space<vmem_shared>>
    tpu.wait_dma2 semaphore(%arg19 : memref<!tpu.dma_semaphore, #tpu.memory_space<semaphore_mem>>) src(%arg6 : memref<640xf32, #tpu.memory_space<hbm>>) dst(%dma_wait3A_35 : memref<640xf32, #tpu.memory_space<vmem_shared>>)
    %barrier3A = arith.constant 0 : index
    tpu.barrier barrier_id(%barrier3A)
    %scan3A = arith.constant 0 : i32
    %scan3A_36 = arith.constant 0 : i32
    %scan3A_37 = arith.constant 62 : i32
    %scan3A_38 = arith.addi %scan3A_36, %scan3A_37 : i32
    %scan3A_39 = arith.constant 1 : i32
    scf.for %scan3A_63 = %scan3A_36 to %scan3A_38 step %scan3A_39  : i32 {
      %mul3A_64 = arith.constant 2 : i32
      %mul3A_65 = arith.muli %scan3A_63, %mul3A_64 : i32
      %add3A_66 = arith.constant 1 : i32
      %add3A_67 = arith.addi %mul3A_65, %add3A_66 : i32
      %mul3A_68 = arith.constant 80 : i32
      %mul3A_69 = arith.muli %add3A_67, %mul3A_68 : i32
      %dma_start3A_70 = tpu.memref_slice %arg12[%mul3A_69] : memref<10000xi32, #tpu.memory_space<vmem>> -> memref<80xi32, #tpu.memory_space<vmem>>
      %dma_start3A_71 = arith.constant 0 : i32
      %dma_start3A_72 = arith.constant 0 : i32
      %dma_start3A_73 = tpu.memref_slice %arg2[%dma_start3A_71, %dma_start3A_72] : memref<10000x128xf32, #tpu.memory_space<hbm>> -> memref<10000x128xf32, #tpu.memory_space<hbm>>
      tpu.enqueue_indirect_dma source(%dma_start3A_73 : memref<10000x128xf32, #tpu.memory_space<hbm>>) target(%arg16 : memref<80x128xf32, #tpu.memory_space<vmem>>) offsets(%dma_start3A_70 : memref<80xi32, #tpu.memory_space<vmem>>) semaphore(%arg18 : memref<!tpu.dma_semaphore, #tpu.memory_space<semaphore_mem>>)
      %dma_wait3A_74 = arith.constant 0 : i32
      %dma_wait3A_75 = tpu.memref_slice %arg12[%dma_wait3A_74] : memref<10000xi32, #tpu.memory_space<vmem>> -> memref<80xi32, #tpu.memory_space<vmem>>
      %dma_wait3A_76 = arith.constant 0 : i32
      %dma_wait3A_77 = arith.constant 0 : i32
      %dma_wait3A_78 = tpu.memref_slice %arg2[%dma_wait3A_76, %dma_wait3A_77] : memref<10000x128xf32, #tpu.memory_space<hbm>> -> memref<10000x128xf32, #tpu.memory_space<hbm>>
      tpu.wait_indirect_dma semaphore(%arg17 : memref<!tpu.dma_semaphore, #tpu.memory_space<semaphore_mem>>) src(%dma_wait3A_78 : memref<10000x128xf32, #tpu.memory_space<hbm>>) dst(%arg15 : memref<80x128xf32, #tpu.memory_space<vmem>>)
      "tpu.region"() ({
        %run_scoped3A_104 = tpu.sem_alloc : memref<!tpu.dma_semaphore, #tpu.memory_space<semaphore_mem>>
        %dma_start3A_105 = arith.constant 0 : i32
        %dma_start3A_106 = tpu.memref_slice %arg13[%mul3A_65, %dma_start3A_105] : memref<125x80xi32, #tpu.memory_space<vmem>> -> memref<1x80xi32, #tpu.memory_space<vmem>>
        %dma_start3A_107 = tpu.memref_squeeze %dma_start3A_106 : memref<1x80xi32, #tpu.memory_space<vmem>> -> memref<80xi32, #tpu.memory_space<vmem>>
        %dma_start3A_108 = arith.constant 0 : i32
        %dma_start3A_109 = arith.constant 0 : i32
        %dma_start3A_110 = tpu.memref_slice %arg10[%dma_start3A_108, %dma_start3A_109] : memref<10240x128xf32, #tpu.memory_space<vmem_shared>> -> memref<10240x128xf32, #tpu.memory_space<vmem_shared>>
        tpu.enqueue_indirect_dma source(%arg15 : memref<80x128xf32, #tpu.memory_space<vmem>>) target(%dma_start3A_110 : memref<10240x128xf32, #tpu.memory_space<vmem_shared>>) offsets(%dma_start3A_107 : memref<80xi32, #tpu.memory_space<vmem>>) semaphore(%run_scoped3A_104 : memref<!tpu.dma_semaphore, #tpu.memory_space<semaphore_mem>>) {add = true}
        %dma_wait3A_111 = arith.constant 0 : i32
        %dma_wait3A_112 = tpu.memref_slice %arg13[%mul3A_65, %dma_wait3A_111] : memref<125x80xi32, #tpu.memory_space<vmem>> -> memref<1x80xi32, #tpu.memory_space<vmem>>
        %dma_wait3A_113 = tpu.memref_squeeze %dma_wait3A_112 : memref<1x80xi32, #tpu.memory_space<vmem>> -> memref<80xi32, #tpu.memory_space<vmem>>
        %dma_wait3A_114 = arith.constant 0 : i32
        %dma_wait3A_115 = arith.constant 0 : i32
        %dma_wait3A_116 = tpu.memref_slice %arg10[%dma_wait3A_114, %dma_wait3A_115] : memref<10240x128xf32, #tpu.memory_space<vmem_shared>> -> memref<10240x128xf32, #tpu.memory_space<vmem_shared>>
        tpu.wait_indirect_dma semaphore(%run_scoped3A_104 : memref<!tpu.dma_semaphore, #tpu.memory_space<semaphore_mem>>) src(%arg15 : memref<80x128xf32, #tpu.memory_space<vmem>>) dst(%dma_wait3A_116 : memref<10240x128xf32, #tpu.memory_space<vmem_shared>>)
        tpu.yield
      }) : () -> ()
      %dma_start3A_79 = arith.constant 0 : i32
      %dma_start3A_80 = tpu.memref_slice %arg13[%mul3A_65, %dma_start3A_79] : memref<125x80xi32, #tpu.memory_space<vmem>> -> memref<1x80xi32, #tpu.memory_space<vmem>>
      %dma_start3A_81 = tpu.memref_squeeze %dma_start3A_80 : memref<1x80xi32, #tpu.memory_space<vmem>> -> memref<80xi32, #tpu.memory_space<vmem>>
      %dma_start3A_82 = arith.constant 0 : i32
      %dma_start3A_83 = tpu.memref_slice %arg11[%dma_start3A_82] : memref<10240xf32, #tpu.memory_space<vmem_shared>> -> memref<10240xf32, #tpu.memory_space<vmem_shared>>
      tpu.enqueue_indirect_dma source(%arg14 : memref<80xf32, #tpu.memory_space<vmem>>) target(%dma_start3A_83 : memref<10240xf32, #tpu.memory_space<vmem_shared>>) offsets(%dma_start3A_81 : memref<80xi32, #tpu.memory_space<vmem>>) semaphore(%arg21 : memref<!tpu.dma_semaphore, #tpu.memory_space<semaphore_mem>>) {add = true}
      %add3A_84 = arith.constant 2 : i32
      %add3A_85 = arith.addi %mul3A_65, %add3A_84 : i32
      %mul3A_86 = arith.constant 80 : i32
      %mul3A_87 = arith.muli %add3A_85, %mul3A_86 : i32
      %dma_start3A_88 = tpu.memref_slice %arg12[%mul3A_87] : memref<10000xi32, #tpu.memory_space<vmem>> -> memref<80xi32, #tpu.memory_space<vmem>>
      %dma_start3A_89 = arith.constant 0 : i32
      %dma_start3A_90 = arith.constant 0 : i32
      %dma_start3A_91 = tpu.memref_slice %arg2[%dma_start3A_89, %dma_start3A_90] : memref<10000x128xf32, #tpu.memory_space<hbm>> -> memref<10000x128xf32, #tpu.memory_space<hbm>>
      tpu.enqueue_indirect_dma source(%dma_start3A_91 : memref<10000x128xf32, #tpu.memory_space<hbm>>) target(%arg15 : memref<80x128xf32, #tpu.memory_space<vmem>>) offsets(%dma_start3A_88 : memref<80xi32, #tpu.memory_space<vmem>>) semaphore(%arg17 : memref<!tpu.dma_semaphore, #tpu.memory_space<semaphore_mem>>)
      %dma_wait3A_92 = arith.constant 0 : i32
      %dma_wait3A_93 = tpu.memref_slice %arg12[%dma_wait3A_92] : memref<10000xi32, #tpu.memory_space<vmem>> -> memref<80xi32, #tpu.memory_space<vmem>>
      %dma_wait3A_94 = arith.constant 0 : i32
      %dma_wait3A_95 = arith.constant 0 : i32
      %dma_wait3A_96 = tpu.memref_slice %arg2[%dma_wait3A_94, %dma_wait3A_95] : memref<10000x128xf32, #tpu.memory_space<hbm>> -> memref<10000x128xf32, #tpu.memory_space<hbm>>
      tpu.wait_indirect_dma semaphore(%arg18 : memref<!tpu.dma_semaphore, #tpu.memory_space<semaphore_mem>>) src(%dma_wait3A_96 : memref<10000x128xf32, #tpu.memory_space<hbm>>) dst(%arg16 : memref<80x128xf32, #tpu.memory_space<vmem>>)
      %add3A_97 = arith.constant 1 : i32
      %add3A_98 = arith.addi %mul3A_65, %add3A_97 : i32
      "tpu.region"() ({
        %run_scoped3A_104 = tpu.sem_alloc : memref<!tpu.dma_semaphore, #tpu.memory_space<semaphore_mem>>
        %dma_start3A_105 = arith.constant 0 : i32
        %dma_start3A_106 = tpu.memref_slice %arg13[%add3A_98, %dma_start3A_105] : memref<125x80xi32, #tpu.memory_space<vmem>> -> memref<1x80xi32, #tpu.memory_space<vmem>>
        %dma_start3A_107 = tpu.memref_squeeze %dma_start3A_106 : memref<1x80xi32, #tpu.memory_space<vmem>> -> memref<80xi32, #tpu.memory_space<vmem>>
        %dma_start3A_108 = arith.constant 0 : i32
        %dma_start3A_109 = arith.constant 0 : i32
        %dma_start3A_110 = tpu.memref_slice %arg10[%dma_start3A_108, %dma_start3A_109] : memref<10240x128xf32, #tpu.memory_space<vmem_shared>> -> memref<10240x128xf32, #tpu.memory_space<vmem_shared>>
        tpu.enqueue_indirect_dma source(%arg16 : memref<80x128xf32, #tpu.memory_space<vmem>>) target(%dma_start3A_110 : memref<10240x128xf32, #tpu.memory_space<vmem_shared>>) offsets(%dma_start3A_107 : memref<80xi32, #tpu.memory_space<vmem>>) semaphore(%run_scoped3A_104 : memref<!tpu.dma_semaphore, #tpu.memory_space<semaphore_mem>>) {add = true}
        %dma_wait3A_111 = arith.constant 0 : i32
        %dma_wait3A_112 = tpu.memref_slice %arg13[%add3A_98, %dma_wait3A_111] : memref<125x80xi32, #tpu.memory_space<vmem>> -> memref<1x80xi32, #tpu.memory_space<vmem>>
        %dma_wait3A_113 = tpu.memref_squeeze %dma_wait3A_112 : memref<1x80xi32, #tpu.memory_space<vmem>> -> memref<80xi32, #tpu.memory_space<vmem>>
        %dma_wait3A_114 = arith.constant 0 : i32
        %dma_wait3A_115 = arith.constant 0 : i32
        %dma_wait3A_116 = tpu.memref_slice %arg10[%dma_wait3A_114, %dma_wait3A_115] : memref<10240x128xf32, #tpu.memory_space<vmem_shared>> -> memref<10240x128xf32, #tpu.memory_space<vmem_shared>>
        tpu.wait_indirect_dma semaphore(%run_scoped3A_104 : memref<!tpu.dma_semaphore, #tpu.memory_space<semaphore_mem>>) src(%arg16 : memref<80x128xf32, #tpu.memory_space<vmem>>) dst(%dma_wait3A_116 : memref<10240x128xf32, #tpu.memory_space<vmem_shared>>)
        tpu.yield
      }) : () -> ()
      %dma_start3A_99 = arith.constant 0 : i32
      %dma_start3A_100 = tpu.memref_slice %arg13[%add3A_98, %dma_start3A_99] : memref<125x80xi32, #tpu.memory_space<vmem>> -> memref<1x80xi32, #tpu.memory_space<vmem>>
      %dma_start3A_101 = tpu.memref_squeeze %dma_start3A_100 : memref<1x80xi32, #tpu.memory_space<vmem>> -> memref<80xi32, #tpu.memory_space<vmem>>
      %dma_start3A_102 = arith.constant 0 : i32
      %dma_start3A_103 = tpu.memref_slice %arg11[%dma_start3A_102] : memref<10240xf32, #tpu.memory_space<vmem_shared>> -> memref<10240xf32, #tpu.memory_space<vmem_shared>>
      tpu.enqueue_indirect_dma source(%arg14 : memref<80xf32, #tpu.memory_space<vmem>>) target(%dma_start3A_103 : memref<10240xf32, #tpu.memory_space<vmem_shared>>) offsets(%dma_start3A_101 : memref<80xi32, #tpu.memory_space<vmem>>) semaphore(%arg21 : memref<!tpu.dma_semaphore, #tpu.memory_space<semaphore_mem>>) {add = true}
    }
    %scan3A_40 = arith.constant 62 : i32
    %dma_wait3A_41 = arith.constant 0 : i32
    %dma_wait3A_42 = tpu.memref_slice %arg12[%dma_wait3A_41] : memref<10000xi32, #tpu.memory_space<vmem>> -> memref<80xi32, #tpu.memory_space<vmem>>
    %dma_wait3A_43 = arith.constant 0 : i32
    %dma_wait3A_44 = arith.constant 0 : i32
    %dma_wait3A_45 = tpu.memref_slice %arg2[%dma_wait3A_43, %dma_wait3A_44] : memref<10000x128xf32, #tpu.memory_space<hbm>> -> memref<10000x128xf32, #tpu.memory_space<hbm>>
    tpu.wait_indirect_dma semaphore(%arg17 : memref<!tpu.dma_semaphore, #tpu.memory_space<semaphore_mem>>) src(%dma_wait3A_45 : memref<10000x128xf32, #tpu.memory_space<hbm>>) dst(%arg15 : memref<80x128xf32, #tpu.memory_space<vmem>>)
    %run_scoped3A = arith.constant 124 : i32
    "tpu.region"() ({
      %run_scoped3A_63 = tpu.sem_alloc : memref<!tpu.dma_semaphore, #tpu.memory_space<semaphore_mem>>
      %dma_start3A_64 = arith.constant 0 : i32
      %dma_start3A_65 = tpu.memref_slice %arg13[%run_scoped3A, %dma_start3A_64] : memref<125x80xi32, #tpu.memory_space<vmem>> -> memref<1x80xi32, #tpu.memory_space<vmem>>
      %dma_start3A_66 = tpu.memref_squeeze %dma_start3A_65 : memref<1x80xi32, #tpu.memory_space<vmem>> -> memref<80xi32, #tpu.memory_space<vmem>>
      %dma_start3A_67 = arith.constant 0 : i32
      %dma_start3A_68 = arith.constant 0 : i32
      %dma_start3A_69 = tpu.memref_slice %arg10[%dma_start3A_67, %dma_start3A_68] : memref<10240x128xf32, #tpu.memory_space<vmem_shared>> -> memref<10240x128xf32, #tpu.memory_space<vmem_shared>>
      tpu.enqueue_indirect_dma source(%arg15 : memref<80x128xf32, #tpu.memory_space<vmem>>) target(%dma_start3A_69 : memref<10240x128xf32, #tpu.memory_space<vmem_shared>>) offsets(%dma_start3A_66 : memref<80xi32, #tpu.memory_space<vmem>>) semaphore(%run_scoped3A_63 : memref<!tpu.dma_semaphore, #tpu.memory_space<semaphore_mem>>) {add = true}
      %dma_wait3A_70 = arith.constant 0 : i32
      %dma_wait3A_71 = tpu.memref_slice %arg13[%run_scoped3A, %dma_wait3A_70] : memref<125x80xi32, #tpu.memory_space<vmem>> -> memref<1x80xi32, #tpu.memory_space<vmem>>
      %dma_wait3A_72 = tpu.memref_squeeze %dma_wait3A_71 : memref<1x80xi32, #tpu.memory_space<vmem>> -> memref<80xi32, #tpu.memory_space<vmem>>
      %dma_wait3A_73 = arith.constant 0 : i32
      %dma_wait3A_74 = arith.constant 0 : i32
      %dma_wait3A_75 = tpu.memref_slice %arg10[%dma_wait3A_73, %dma_wait3A_74] : memref<10240x128xf32, #tpu.memory_space<vmem_shared>> -> memref<10240x128xf32, #tpu.memory_space<vmem_shared>>
      tpu.wait_indirect_dma semaphore(%run_scoped3A_63 : memref<!tpu.dma_semaphore, #tpu.memory_space<semaphore_mem>>) src(%arg15 : memref<80x128xf32, #tpu.memory_space<vmem>>) dst(%dma_wait3A_75 : memref<10240x128xf32, #tpu.memory_space<vmem_shared>>)
      tpu.yield
    }) : () -> ()
    %dma_start3A_46 = arith.constant 124 : i32
    %dma_start3A_47 = arith.constant 0 : i32
    %dma_start3A_48 = tpu.memref_slice %arg13[%dma_start3A_46, %dma_start3A_47] : memref<125x80xi32, #tpu.memory_space<vmem>> -> memref<1x80xi32, #tpu.memory_space<vmem>>
    %dma_start3A_49 = tpu.memref_squeeze %dma_start3A_48 : memref<1x80xi32, #tpu.memory_space<vmem>> -> memref<80xi32, #tpu.memory_space<vmem>>
    %dma_start3A_50 = arith.constant 0 : i32
    %dma_start3A_51 = tpu.memref_slice %arg11[%dma_start3A_50] : memref<10240xf32, #tpu.memory_space<vmem_shared>> -> memref<10240xf32, #tpu.memory_space<vmem_shared>>
    tpu.enqueue_indirect_dma source(%arg14 : memref<80xf32, #tpu.memory_space<vmem>>) target(%dma_start3A_51 : memref<10240xf32, #tpu.memory_space<vmem_shared>>) offsets(%dma_start3A_49 : memref<80xi32, #tpu.memory_space<vmem>>) semaphore(%arg21 : memref<!tpu.dma_semaphore, #tpu.memory_space<semaphore_mem>>) {add = true}
    %dma_wait3A_52 = tpu.memref_slice %arg3[%multiple_of3A] : memref<320000xi32, #tpu.memory_space<hbm>> -> memref<10000xi32, #tpu.memory_space<hbm>>
    %dma_wait3A_53 = tpu.memref_slice %arg3[%multiple_of3A] : memref<320000xi32, #tpu.memory_space<hbm>> -> memref<10000xi32, #tpu.memory_space<hbm>>
    tpu.wait_dma2 semaphore(%arg21 : memref<!tpu.dma_semaphore, #tpu.memory_space<semaphore_mem>>) src(%dma_wait3A_53 : memref<10000xi32, #tpu.memory_space<hbm>>) dst(%arg12 : memref<10000xi32, #tpu.memory_space<vmem>>)
    %barrier3A_54 = arith.constant 0 : index
    tpu.barrier barrier_id(%barrier3A_54)
    %mul3A_55 = arith.constant 640 : i32
    %mul3A_56 = arith.muli %arg1, %mul3A_55 : i32
    %mul3A_57 = arith.constant 640 : i32
    %mul3A_58 = arith.muli %arg1, %mul3A_57 : i32
    "tpu.region"() ({
      %run_scoped3A_63 = tpu.sem_alloc : memref<!tpu.dma_semaphore, #tpu.memory_space<semaphore_mem>>
      %dma_start3A_64 = arith.constant 0 : i32
      %dma_start3A_65 = tpu.memref_slice %arg8[%arg0, %mul3A_58, %dma_start3A_64] : memref<2x10240x128xf32, #tpu.memory_space<hbm>> -> memref<1x640x128xf32, #tpu.memory_space<hbm>>
      %dma_start3A_66 = tpu.memref_squeeze %dma_start3A_65 : memref<1x640x128xf32, #tpu.memory_space<hbm>> -> memref<640x128xf32, #tpu.memory_space<hbm>>
      %dma_start3A_67 = arith.constant 0 : i32
      %dma_start3A_68 = tpu.memref_slice %arg10[%mul3A_56, %dma_start3A_67] : memref<10240x128xf32, #tpu.memory_space<vmem_shared>> -> memref<640x128xf32, #tpu.memory_space<vmem_shared>>
      tpu.enqueue_dma source(%dma_start3A_68 : memref<640x128xf32, #tpu.memory_space<vmem_shared>>) target(%dma_start3A_66 : memref<640x128xf32, #tpu.memory_space<hbm>>) target_semaphore(%run_scoped3A_63 : memref<!tpu.dma_semaphore, #tpu.memory_space<semaphore_mem>>)
      %dma_wait3A_69 = arith.constant 0 : i32
      %dma_wait3A_70 = tpu.memref_slice %arg8[%arg0, %mul3A_58, %dma_wait3A_69] : memref<2x10240x128xf32, #tpu.memory_space<hbm>> -> memref<1x640x128xf32, #tpu.memory_space<hbm>>
      %dma_wait3A_71 = tpu.memref_squeeze %dma_wait3A_70 : memref<1x640x128xf32, #tpu.memory_space<hbm>> -> memref<640x128xf32, #tpu.memory_space<hbm>>
      %dma_wait3A_72 = arith.constant 0 : i32
      %dma_wait3A_73 = tpu.memref_slice %arg10[%mul3A_56, %dma_wait3A_72] : memref<10240x128xf32, #tpu.memory_space<vmem_shared>> -> memref<640x128xf32, #tpu.memory_space<vmem_shared>>
      tpu.wait_dma2 semaphore(%run_scoped3A_63 : memref<!tpu.dma_semaphore, #tpu.memory_space<semaphore_mem>>) src(%dma_wait3A_73 : memref<640x128xf32, #tpu.memory_space<vmem_shared>>) dst(%dma_wait3A_71 : memref<640x128xf32, #tpu.memory_space<hbm>>)
      tpu.yield
    }) : () -> ()
    %mul3A_59 = arith.constant 640 : i32
    %mul3A_60 = arith.muli %arg1, %mul3A_59 : i32
    %mul3A_61 = arith.constant 640 : i32
    %mul3A_62 = arith.muli %arg1, %mul3A_61 : i32
    "tpu.region"() ({
      %run_scoped3A_63 = tpu.sem_alloc : memref<!tpu.dma_semaphore, #tpu.memory_space<semaphore_mem>>
      %dma_start3A_64 = tpu.memref_slice %arg9[%arg0, %mul3A_62] : memref<2x10240xf32, #tpu.memory_space<hbm>> -> memref<1x640xf32, #tpu.memory_space<hbm>>
      %dma_start3A_65 = tpu.memref_squeeze %dma_start3A_64 : memref<1x640xf32, #tpu.memory_space<hbm>> -> memref<640xf32, #tpu.memory_space<hbm>>
      %dma_start3A_66 = tpu.memref_slice %arg11[%mul3A_60] : memref<10240xf32, #tpu.memory_space<vmem_shared>> -> memref<640xf32, #tpu.memory_space<vmem_shared>>
      tpu.enqueue_dma source(%dma_start3A_66 : memref<640xf32, #tpu.memory_space<vmem_shared>>) target(%dma_start3A_65 : memref<640xf32, #tpu.memory_space<hbm>>) target_semaphore(%run_scoped3A_63 : memref<!tpu.dma_semaphore, #tpu.memory_space<semaphore_mem>>)
      %dma_wait3A_67 = tpu.memref_slice %arg9[%arg0, %mul3A_62] : memref<2x10240xf32, #tpu.memory_space<hbm>> -> memref<1x640xf32, #tpu.memory_space<hbm>>
      %dma_wait3A_68 = tpu.memref_squeeze %dma_wait3A_67 : memref<1x640xf32, #tpu.memory_space<hbm>> -> memref<640xf32, #tpu.memory_space<hbm>>
      %dma_wait3A_69 = tpu.memref_slice %arg11[%mul3A_60] : memref<10240xf32, #tpu.memory_space<vmem_shared>> -> memref<640xf32, #tpu.memory_space<vmem_shared>>
      tpu.wait_dma2 semaphore(%run_scoped3A_63 : memref<!tpu.dma_semaphore, #tpu.memory_space<semaphore_mem>>) src(%dma_wait3A_69 : memref<640xf32, #tpu.memory_space<vmem_shared>>) dst(%dma_wait3A_68 : memref<640xf32, #tpu.memory_space<hbm>>)
      tpu.yield
    }) : () -> ()
    return
  }
}

#map = affine_map<(d0, d1) -> (0, 0)>
#map1 = affine_map<(d0, d1) -> (0)>
#map2 = affine_map<(d0, d1) -> (0, 0, 0)>
module attributes {stable_mosaic.version = 14 : i64} {
  func.func @_sc_agg_body(%arg0: i32, %arg1: i32, %arg2: memref<10000x128xf32, #tpu.memory_space<hbm>>, %arg3: memref<320000xi32, #tpu.memory_space<hbm>>, %arg4: memref<32x125x80xi32, #tpu.memory_space<hbm>>, %arg5: memref<640x128xf32, #tpu.memory_space<hbm>>, %arg6: memref<640xf32, #tpu.memory_space<hbm>>, %arg7: memref<80xf32, #tpu.memory_space<hbm>>, %arg8: memref<2x10240x128xf32, #tpu.memory_space<hbm>>, %arg9: memref<2x10240xf32, #tpu.memory_space<hbm>>, %arg10: memref<10240x128xf32, #tpu.memory_space<vmem_shared>>, %arg11: memref<10240xf32, #tpu.memory_space<vmem_shared>>, %arg12: memref<10000xi32, #tpu.memory_space<vmem>>, %arg13: memref<125x80xi32, #tpu.memory_space<vmem>>, %arg14: memref<80xf32, #tpu.memory_space<vmem>>, %arg15: memref<80x128xf32, #tpu.memory_space<vmem>>, %arg16: memref<80x128xf32, #tpu.memory_space<vmem>>, %arg17: memref<!tpu.dma_semaphore, #tpu.memory_space<semaphore_mem>>, %arg18: memref<!tpu.dma_semaphore, #tpu.memory_space<semaphore_mem>>, %arg19: memref<!tpu.dma_semaphore, #tpu.memory_space<semaphore_mem>>, %arg20: memref<!tpu.dma_semaphore, #tpu.memory_space<semaphore_mem>>, %arg21: memref<!tpu.dma_semaphore, #tpu.memory_space<semaphore_mem>>) attributes {dimension_semantics = [#tpu.dimension_semantics<core_parallel>, #tpu.dimension_semantics<subcore_parallel>], iteration_bounds = array<i64: 2, 16>, scalar_prefetch = 0 : i64, scratch_operands = 12 : i64, tpu.core_type = #tpu.core_type<sc_vector_subcore>, window_params = [{transform_indices = #map}, {transform_indices = #map1}, {transform_indices = #map2}, {transform_indices = #map}, {transform_indices = #map1}, {transform_indices = #map1}, {transform_indices = #map2}, {transform_indices = #map}]} {
    %mul3A = arith.constant 16 : i32
    %mul3A_0 = arith.muli %arg0, %mul3A : i32
    %add3A = arith.addi %mul3A_0, %arg1 : i32
    %mul3A_1 = arith.constant 640 : i32
    %mul3A_2 = arith.muli %arg1, %mul3A_1 : i32
    %dma_start3A = arith.constant 0 : i32
    %dma_start3A_3 = tpu.memref_slice %arg10[%mul3A_2, %dma_start3A] : memref<10240x128xf32, #tpu.memory_space<vmem_shared>> -> memref<640x128xf32, #tpu.memory_space<vmem_shared>>
    tpu.enqueue_dma source(%arg5 : memref<640x128xf32, #tpu.memory_space<hbm>>) target(%dma_start3A_3 : memref<640x128xf32, #tpu.memory_space<vmem_shared>>) target_semaphore(%arg19 : memref<!tpu.dma_semaphore, #tpu.memory_space<semaphore_mem>>)
    %mul3A_4 = arith.constant 640 : i32
    %mul3A_5 = arith.muli %arg1, %mul3A_4 : i32
    %dma_start3A_6 = tpu.memref_slice %arg11[%mul3A_5] : memref<10240xf32, #tpu.memory_space<vmem_shared>> -> memref<640xf32, #tpu.memory_space<vmem_shared>>
    tpu.enqueue_dma source(%arg6 : memref<640xf32, #tpu.memory_space<hbm>>) target(%dma_start3A_6 : memref<640xf32, #tpu.memory_space<vmem_shared>>) target_semaphore(%arg19 : memref<!tpu.dma_semaphore, #tpu.memory_space<semaphore_mem>>)
    "tpu.region"() ({
      %run_scoped3A_63 = tpu.sem_alloc : memref<!tpu.dma_semaphore, #tpu.memory_space<semaphore_mem>>
      tpu.enqueue_dma source(%arg7 : memref<80xf32, #tpu.memory_space<hbm>>) target(%arg14 : memref<80xf32, #tpu.memory_space<vmem>>) target_semaphore(%run_scoped3A_63 : memref<!tpu.dma_semaphore, #tpu.memory_space<semaphore_mem>>)
      tpu.wait_dma2 semaphore(%run_scoped3A_63 : memref<!tpu.dma_semaphore, #tpu.memory_space<semaphore_mem>>) src(%arg7 : memref<80xf32, #tpu.memory_space<hbm>>) dst(%arg14 : memref<80xf32, #tpu.memory_space<vmem>>)
      tpu.yield
    }) : () -> ()
    %mul3A_7 = arith.constant 10000 : i32
    %mul3A_8 = arith.muli %add3A, %mul3A_7 : i32
    %multiple_of3A = tpu.assume_multiple %mul3A_8, 8 : i32
    %dma_start3A_9 = tpu.memref_slice %arg3[%multiple_of3A] : memref<320000xi32, #tpu.memory_space<hbm>> -> memref<10000xi32, #tpu.memory_space<hbm>>
    %dma_start3A_10 = tpu.memref_slice %arg3[%multiple_of3A] : memref<320000xi32, #tpu.memory_space<hbm>> -> memref<10000xi32, #tpu.memory_space<hbm>>
    tpu.enqueue_dma source(%dma_start3A_10 : memref<10000xi32, #tpu.memory_space<hbm>>) target(%arg12 : memref<10000xi32, #tpu.memory_space<vmem>>) target_semaphore(%arg20 : memref<!tpu.dma_semaphore, #tpu.memory_space<semaphore_mem>>)
    %dma_start3A_11 = arith.constant 0 : i32
    %dma_start3A_12 = arith.constant 0 : i32
    %dma_start3A_13 = tpu.memref_slice %arg4[%add3A, %dma_start3A_11, %dma_start3A_12] : memref<32x125x80xi32, #tpu.memory_space<hbm>> -> memref<1x125x80xi32, #tpu.memory_space<hbm>>
    %dma_start3A_14 = tpu.memref_squeeze %dma_start3A_13 : memref<1x125x80xi32, #tpu.memory_space<hbm>> -> memref<125x80xi32, #tpu.memory_space<hbm>>
    %dma_start3A_15 = arith.constant 0 : i32
    %dma_start3A_16 = arith.constant 0 : i32
    %dma_start3A_17 = tpu.memref_slice %arg4[%add3A, %dma_start3A_15, %dma_start3A_16] : memref<32x125x80xi32, #tpu.memory_space<hbm>> -> memref<1x125x80xi32, #tpu.memory_space<hbm>>
    %dma_start3A_18 = tpu.memref_squeeze %dma_start3A_17 : memref<1x125x80xi32, #tpu.memory_space<hbm>> -> memref<125x80xi32, #tpu.memory_space<hbm>>
    tpu.enqueue_dma source(%dma_start3A_18 : memref<125x80xi32, #tpu.memory_space<hbm>>) target(%arg13 : memref<125x80xi32, #tpu.memory_space<vmem>>) target_semaphore(%arg20 : memref<!tpu.dma_semaphore, #tpu.memory_space<semaphore_mem>>)
    %dma_wait3A = tpu.memref_slice %arg3[%multiple_of3A] : memref<320000xi32, #tpu.memory_space<hbm>> -> memref<10000xi32, #tpu.memory_space<hbm>>
    %dma_wait3A_19 = tpu.memref_slice %arg3[%multiple_of3A] : memref<320000xi32, #tpu.memory_space<hbm>> -> memref<10000xi32, #tpu.memory_space<hbm>>
    tpu.wait_dma2 semaphore(%arg20 : memref<!tpu.dma_semaphore, #tpu.memory_space<semaphore_mem>>) src(%dma_wait3A_19 : memref<10000xi32, #tpu.memory_space<hbm>>) dst(%arg12 : memref<10000xi32, #tpu.memory_space<vmem>>)
    %dma_wait3A_20 = arith.constant 0 : i32
    %dma_wait3A_21 = arith.constant 0 : i32
    %dma_wait3A_22 = tpu.memref_slice %arg4[%add3A, %dma_wait3A_20, %dma_wait3A_21] : memref<32x125x80xi32, #tpu.memory_space<hbm>> -> memref<1x125x80xi32, #tpu.memory_space<hbm>>
    %dma_wait3A_23 = tpu.memref_squeeze %dma_wait3A_22 : memref<1x125x80xi32, #tpu.memory_space<hbm>> -> memref<125x80xi32, #tpu.memory_space<hbm>>
    %dma_wait3A_24 = arith.constant 0 : i32
    %dma_wait3A_25 = arith.constant 0 : i32
    %dma_wait3A_26 = tpu.memref_slice %arg4[%add3A, %dma_wait3A_24, %dma_wait3A_25] : memref<32x125x80xi32, #tpu.memory_space<hbm>> -> memref<1x125x80xi32, #tpu.memory_space<hbm>>
    %dma_wait3A_27 = tpu.memref_squeeze %dma_wait3A_26 : memref<1x125x80xi32, #tpu.memory_space<hbm>> -> memref<125x80xi32, #tpu.memory_space<hbm>>
    tpu.wait_dma2 semaphore(%arg20 : memref<!tpu.dma_semaphore, #tpu.memory_space<semaphore_mem>>) src(%dma_wait3A_27 : memref<125x80xi32, #tpu.memory_space<hbm>>) dst(%arg13 : memref<125x80xi32, #tpu.memory_space<vmem>>)
    %dma_start3A_28 = arith.constant 0 : i32
    %dma_start3A_29 = tpu.memref_slice %arg12[%dma_start3A_28] : memref<10000xi32, #tpu.memory_space<vmem>> -> memref<80xi32, #tpu.memory_space<vmem>>
    %dma_start3A_30 = arith.constant 0 : i32
    %dma_start3A_31 = arith.constant 0 : i32
    %dma_start3A_32 = tpu.memref_slice %arg2[%dma_start3A_30, %dma_start3A_31] : memref<10000x128xf32, #tpu.memory_space<hbm>> -> memref<10000x128xf32, #tpu.memory_space<hbm>>
    tpu.enqueue_indirect_dma source(%dma_start3A_32 : memref<10000x128xf32, #tpu.memory_space<hbm>>) target(%arg15 : memref<80x128xf32, #tpu.memory_space<vmem>>) offsets(%dma_start3A_29 : memref<80xi32, #tpu.memory_space<vmem>>) semaphore(%arg17 : memref<!tpu.dma_semaphore, #tpu.memory_space<semaphore_mem>>)
    %dma_wait3A_33 = arith.constant 0 : i32
    %dma_wait3A_34 = tpu.memref_slice %arg10[%mul3A_2, %dma_wait3A_33] : memref<10240x128xf32, #tpu.memory_space<vmem_shared>> -> memref<640x128xf32, #tpu.memory_space<vmem_shared>>
    tpu.wait_dma2 semaphore(%arg19 : memref<!tpu.dma_semaphore, #tpu.memory_space<semaphore_mem>>) src(%arg5 : memref<640x128xf32, #tpu.memory_space<hbm>>) dst(%dma_wait3A_34 : memref<640x128xf32, #tpu.memory_space<vmem_shared>>)
    %dma_wait3A_35 = tpu.memref_slice %arg11[%mul3A_5] : memref<10240xf32, #tpu.memory_space<vmem_shared>> -> memref<640xf32, #tpu.memory_space<vmem_shared>>
    tpu.wait_dma2 semaphore(%arg19 : memref<!tpu.dma_semaphore, #tpu.memory_space<semaphore_mem>>) src(%arg6 : memref<640xf32, #tpu.memory_space<hbm>>) dst(%dma_wait3A_35 : memref<640xf32, #tpu.memory_space<vmem_shared>>)
    %barrier3A = arith.constant 0 : index
    tpu.barrier barrier_id(%barrier3A)
    %scan3A = arith.constant 0 : i32
    %scan3A_36 = arith.constant 0 : i32
    %scan3A_37 = arith.constant 62 : i32
    %scan3A_38 = arith.addi %scan3A_36, %scan3A_37 : i32
    %scan3A_39 = arith.constant 1 : i32
    scf.for %scan3A_63 = %scan3A_36 to %scan3A_38 step %scan3A_39  : i32 {
      %mul3A_64 = arith.constant 2 : i32
      %mul3A_65 = arith.muli %scan3A_63, %mul3A_64 : i32
      %add3A_66 = arith.constant 1 : i32
      %add3A_67 = arith.addi %mul3A_65, %add3A_66 : i32
      %mul3A_68 = arith.constant 80 : i32
      %mul3A_69 = arith.muli %add3A_67, %mul3A_68 : i32
      %dma_start3A_70 = tpu.memref_slice %arg12[%mul3A_69] : memref<10000xi32, #tpu.memory_space<vmem>> -> memref<80xi32, #tpu.memory_space<vmem>>
      %dma_start3A_71 = arith.constant 0 : i32
      %dma_start3A_72 = arith.constant 0 : i32
      %dma_start3A_73 = tpu.memref_slice %arg2[%dma_start3A_71, %dma_start3A_72] : memref<10000x128xf32, #tpu.memory_space<hbm>> -> memref<10000x128xf32, #tpu.memory_space<hbm>>
      tpu.enqueue_indirect_dma source(%dma_start3A_73 : memref<10000x128xf32, #tpu.memory_space<hbm>>) target(%arg16 : memref<80x128xf32, #tpu.memory_space<vmem>>) offsets(%dma_start3A_70 : memref<80xi32, #tpu.memory_space<vmem>>) semaphore(%arg18 : memref<!tpu.dma_semaphore, #tpu.memory_space<semaphore_mem>>)
      %dma_wait3A_74 = arith.constant 0 : i32
      %dma_wait3A_75 = tpu.memref_slice %arg12[%dma_wait3A_74] : memref<10000xi32, #tpu.memory_space<vmem>> -> memref<80xi32, #tpu.memory_space<vmem>>
      %dma_wait3A_76 = arith.constant 0 : i32
      %dma_wait3A_77 = arith.constant 0 : i32
      %dma_wait3A_78 = tpu.memref_slice %arg2[%dma_wait3A_76, %dma_wait3A_77] : memref<10000x128xf32, #tpu.memory_space<hbm>> -> memref<10000x128xf32, #tpu.memory_space<hbm>>
      tpu.wait_indirect_dma semaphore(%arg17 : memref<!tpu.dma_semaphore, #tpu.memory_space<semaphore_mem>>) src(%dma_wait3A_78 : memref<10000x128xf32, #tpu.memory_space<hbm>>) dst(%arg15 : memref<80x128xf32, #tpu.memory_space<vmem>>)
      "tpu.region"() ({
        %run_scoped3A_104 = tpu.sem_alloc : memref<!tpu.dma_semaphore, #tpu.memory_space<semaphore_mem>>
        %dma_start3A_105 = arith.constant 0 : i32
        %dma_start3A_106 = tpu.memref_slice %arg13[%mul3A_65, %dma_start3A_105] : memref<125x80xi32, #tpu.memory_space<vmem>> -> memref<1x80xi32, #tpu.memory_space<vmem>>
        %dma_start3A_107 = tpu.memref_squeeze %dma_start3A_106 : memref<1x80xi32, #tpu.memory_space<vmem>> -> memref<80xi32, #tpu.memory_space<vmem>>
        %dma_start3A_108 = arith.constant 0 : i32
        %dma_start3A_109 = arith.constant 0 : i32
        %dma_start3A_110 = tpu.memref_slice %arg10[%dma_start3A_108, %dma_start3A_109] : memref<10240x128xf32, #tpu.memory_space<vmem_shared>> -> memref<10240x128xf32, #tpu.memory_space<vmem_shared>>
        tpu.enqueue_indirect_dma source(%arg15 : memref<80x128xf32, #tpu.memory_space<vmem>>) target(%dma_start3A_110 : memref<10240x128xf32, #tpu.memory_space<vmem_shared>>) offsets(%dma_start3A_107 : memref<80xi32, #tpu.memory_space<vmem>>) semaphore(%run_scoped3A_104 : memref<!tpu.dma_semaphore, #tpu.memory_space<semaphore_mem>>) {add = true}
        %dma_wait3A_111 = arith.constant 0 : i32
        %dma_wait3A_112 = tpu.memref_slice %arg13[%mul3A_65, %dma_wait3A_111] : memref<125x80xi32, #tpu.memory_space<vmem>> -> memref<1x80xi32, #tpu.memory_space<vmem>>
        %dma_wait3A_113 = tpu.memref_squeeze %dma_wait3A_112 : memref<1x80xi32, #tpu.memory_space<vmem>> -> memref<80xi32, #tpu.memory_space<vmem>>
        %dma_wait3A_114 = arith.constant 0 : i32
        %dma_wait3A_115 = arith.constant 0 : i32
        %dma_wait3A_116 = tpu.memref_slice %arg10[%dma_wait3A_114, %dma_wait3A_115] : memref<10240x128xf32, #tpu.memory_space<vmem_shared>> -> memref<10240x128xf32, #tpu.memory_space<vmem_shared>>
        tpu.wait_indirect_dma semaphore(%run_scoped3A_104 : memref<!tpu.dma_semaphore, #tpu.memory_space<semaphore_mem>>) src(%arg15 : memref<80x128xf32, #tpu.memory_space<vmem>>) dst(%dma_wait3A_116 : memref<10240x128xf32, #tpu.memory_space<vmem_shared>>)
        tpu.yield
      }) : () -> ()
      %dma_start3A_79 = arith.constant 0 : i32
      %dma_start3A_80 = tpu.memref_slice %arg13[%mul3A_65, %dma_start3A_79] : memref<125x80xi32, #tpu.memory_space<vmem>> -> memref<1x80xi32, #tpu.memory_space<vmem>>
      %dma_start3A_81 = tpu.memref_squeeze %dma_start3A_80 : memref<1x80xi32, #tpu.memory_space<vmem>> -> memref<80xi32, #tpu.memory_space<vmem>>
      %dma_start3A_82 = arith.constant 0 : i32
      %dma_start3A_83 = tpu.memref_slice %arg11[%dma_start3A_82] : memref<10240xf32, #tpu.memory_space<vmem_shared>> -> memref<10240xf32, #tpu.memory_space<vmem_shared>>
      tpu.enqueue_indirect_dma source(%arg14 : memref<80xf32, #tpu.memory_space<vmem>>) target(%dma_start3A_83 : memref<10240xf32, #tpu.memory_space<vmem_shared>>) offsets(%dma_start3A_81 : memref<80xi32, #tpu.memory_space<vmem>>) semaphore(%arg21 : memref<!tpu.dma_semaphore, #tpu.memory_space<semaphore_mem>>) {add = true}
      %add3A_84 = arith.constant 2 : i32
      %add3A_85 = arith.addi %mul3A_65, %add3A_84 : i32
      %mul3A_86 = arith.constant 80 : i32
      %mul3A_87 = arith.muli %add3A_85, %mul3A_86 : i32
      %dma_start3A_88 = tpu.memref_slice %arg12[%mul3A_87] : memref<10000xi32, #tpu.memory_space<vmem>> -> memref<80xi32, #tpu.memory_space<vmem>>
      %dma_start3A_89 = arith.constant 0 : i32
      %dma_start3A_90 = arith.constant 0 : i32
      %dma_start3A_91 = tpu.memref_slice %arg2[%dma_start3A_89, %dma_start3A_90] : memref<10000x128xf32, #tpu.memory_space<hbm>> -> memref<10000x128xf32, #tpu.memory_space<hbm>>
      tpu.enqueue_indirect_dma source(%dma_start3A_91 : memref<10000x128xf32, #tpu.memory_space<hbm>>) target(%arg15 : memref<80x128xf32, #tpu.memory_space<vmem>>) offsets(%dma_start3A_88 : memref<80xi32, #tpu.memory_space<vmem>>) semaphore(%arg17 : memref<!tpu.dma_semaphore, #tpu.memory_space<semaphore_mem>>)
      %dma_wait3A_92 = arith.constant 0 : i32
      %dma_wait3A_93 = tpu.memref_slice %arg12[%dma_wait3A_92] : memref<10000xi32, #tpu.memory_space<vmem>> -> memref<80xi32, #tpu.memory_space<vmem>>
      %dma_wait3A_94 = arith.constant 0 : i32
      %dma_wait3A_95 = arith.constant 0 : i32
      %dma_wait3A_96 = tpu.memref_slice %arg2[%dma_wait3A_94, %dma_wait3A_95] : memref<10000x128xf32, #tpu.memory_space<hbm>> -> memref<10000x128xf32, #tpu.memory_space<hbm>>
      tpu.wait_indirect_dma semaphore(%arg18 : memref<!tpu.dma_semaphore, #tpu.memory_space<semaphore_mem>>) src(%dma_wait3A_96 : memref<10000x128xf32, #tpu.memory_space<hbm>>) dst(%arg16 : memref<80x128xf32, #tpu.memory_space<vmem>>)
      %add3A_97 = arith.constant 1 : i32
      %add3A_98 = arith.addi %mul3A_65, %add3A_97 : i32
      "tpu.region"() ({
        %run_scoped3A_104 = tpu.sem_alloc : memref<!tpu.dma_semaphore, #tpu.memory_space<semaphore_mem>>
        %dma_start3A_105 = arith.constant 0 : i32
        %dma_start3A_106 = tpu.memref_slice %arg13[%add3A_98, %dma_start3A_105] : memref<125x80xi32, #tpu.memory_space<vmem>> -> memref<1x80xi32, #tpu.memory_space<vmem>>
        %dma_start3A_107 = tpu.memref_squeeze %dma_start3A_106 : memref<1x80xi32, #tpu.memory_space<vmem>> -> memref<80xi32, #tpu.memory_space<vmem>>
        %dma_start3A_108 = arith.constant 0 : i32
        %dma_start3A_109 = arith.constant 0 : i32
        %dma_start3A_110 = tpu.memref_slice %arg10[%dma_start3A_108, %dma_start3A_109] : memref<10240x128xf32, #tpu.memory_space<vmem_shared>> -> memref<10240x128xf32, #tpu.memory_space<vmem_shared>>
        tpu.enqueue_indirect_dma source(%arg16 : memref<80x128xf32, #tpu.memory_space<vmem>>) target(%dma_start3A_110 : memref<10240x128xf32, #tpu.memory_space<vmem_shared>>) offsets(%dma_start3A_107 : memref<80xi32, #tpu.memory_space<vmem>>) semaphore(%run_scoped3A_104 : memref<!tpu.dma_semaphore, #tpu.memory_space<semaphore_mem>>) {add = true}
        %dma_wait3A_111 = arith.constant 0 : i32
        %dma_wait3A_112 = tpu.memref_slice %arg13[%add3A_98, %dma_wait3A_111] : memref<125x80xi32, #tpu.memory_space<vmem>> -> memref<1x80xi32, #tpu.memory_space<vmem>>
        %dma_wait3A_113 = tpu.memref_squeeze %dma_wait3A_112 : memref<1x80xi32, #tpu.memory_space<vmem>> -> memref<80xi32, #tpu.memory_space<vmem>>
        %dma_wait3A_114 = arith.constant 0 : i32
        %dma_wait3A_115 = arith.constant 0 : i32
        %dma_wait3A_116 = tpu.memref_slice %arg10[%dma_wait3A_114, %dma_wait3A_115] : memref<10240x128xf32, #tpu.memory_space<vmem_shared>> -> memref<10240x128xf32, #tpu.memory_space<vmem_shared>>
        tpu.wait_indirect_dma semaphore(%run_scoped3A_104 : memref<!tpu.dma_semaphore, #tpu.memory_space<semaphore_mem>>) src(%arg16 : memref<80x128xf32, #tpu.memory_space<vmem>>) dst(%dma_wait3A_116 : memref<10240x128xf32, #tpu.memory_space<vmem_shared>>)
        tpu.yield
      }) : () -> ()
      %dma_start3A_99 = arith.constant 0 : i32
      %dma_start3A_100 = tpu.memref_slice %arg13[%add3A_98, %dma_start3A_99] : memref<125x80xi32, #tpu.memory_space<vmem>> -> memref<1x80xi32, #tpu.memory_space<vmem>>
      %dma_start3A_101 = tpu.memref_squeeze %dma_start3A_100 : memref<1x80xi32, #tpu.memory_space<vmem>> -> memref<80xi32, #tpu.memory_space<vmem>>
      %dma_start3A_102 = arith.constant 0 : i32
      %dma_start3A_103 = tpu.memref_slice %arg11[%dma_start3A_102] : memref<10240xf32, #tpu.memory_space<vmem_shared>> -> memref<10240xf32, #tpu.memory_space<vmem_shared>>
      tpu.enqueue_indirect_dma source(%arg14 : memref<80xf32, #tpu.memory_space<vmem>>) target(%dma_start3A_103 : memref<10240xf32, #tpu.memory_space<vmem_shared>>) offsets(%dma_start3A_101 : memref<80xi32, #tpu.memory_space<vmem>>) semaphore(%arg21 : memref<!tpu.dma_semaphore, #tpu.memory_space<semaphore_mem>>) {add = true}
    }
    %scan3A_40 = arith.constant 62 : i32
    %dma_wait3A_41 = arith.constant 0 : i32
    %dma_wait3A_42 = tpu.memref_slice %arg12[%dma_wait3A_41] : memref<10000xi32, #tpu.memory_space<vmem>> -> memref<80xi32, #tpu.memory_space<vmem>>
    %dma_wait3A_43 = arith.constant 0 : i32
    %dma_wait3A_44 = arith.constant 0 : i32
    %dma_wait3A_45 = tpu.memref_slice %arg2[%dma_wait3A_43, %dma_wait3A_44] : memref<10000x128xf32, #tpu.memory_space<hbm>> -> memref<10000x128xf32, #tpu.memory_space<hbm>>
    tpu.wait_indirect_dma semaphore(%arg17 : memref<!tpu.dma_semaphore, #tpu.memory_space<semaphore_mem>>) src(%dma_wait3A_45 : memref<10000x128xf32, #tpu.memory_space<hbm>>) dst(%arg15 : memref<80x128xf32, #tpu.memory_space<vmem>>)
    %run_scoped3A = arith.constant 124 : i32
    "tpu.region"() ({
      %run_scoped3A_63 = tpu.sem_alloc : memref<!tpu.dma_semaphore, #tpu.memory_space<semaphore_mem>>
      %dma_start3A_64 = arith.constant 0 : i32
      %dma_start3A_65 = tpu.memref_slice %arg13[%run_scoped3A, %dma_start3A_64] : memref<125x80xi32, #tpu.memory_space<vmem>> -> memref<1x80xi32, #tpu.memory_space<vmem>>
      %dma_start3A_66 = tpu.memref_squeeze %dma_start3A_65 : memref<1x80xi32, #tpu.memory_space<vmem>> -> memref<80xi32, #tpu.memory_space<vmem>>
      %dma_start3A_67 = arith.constant 0 : i32
      %dma_start3A_68 = arith.constant 0 : i32
      %dma_start3A_69 = tpu.memref_slice %arg10[%dma_start3A_67, %dma_start3A_68] : memref<10240x128xf32, #tpu.memory_space<vmem_shared>> -> memref<10240x128xf32, #tpu.memory_space<vmem_shared>>
      tpu.enqueue_indirect_dma source(%arg15 : memref<80x128xf32, #tpu.memory_space<vmem>>) target(%dma_start3A_69 : memref<10240x128xf32, #tpu.memory_space<vmem_shared>>) offsets(%dma_start3A_66 : memref<80xi32, #tpu.memory_space<vmem>>) semaphore(%run_scoped3A_63 : memref<!tpu.dma_semaphore, #tpu.memory_space<semaphore_mem>>) {add = true}
      %dma_wait3A_70 = arith.constant 0 : i32
      %dma_wait3A_71 = tpu.memref_slice %arg13[%run_scoped3A, %dma_wait3A_70] : memref<125x80xi32, #tpu.memory_space<vmem>> -> memref<1x80xi32, #tpu.memory_space<vmem>>
      %dma_wait3A_72 = tpu.memref_squeeze %dma_wait3A_71 : memref<1x80xi32, #tpu.memory_space<vmem>> -> memref<80xi32, #tpu.memory_space<vmem>>
      %dma_wait3A_73 = arith.constant 0 : i32
      %dma_wait3A_74 = arith.constant 0 : i32
      %dma_wait3A_75 = tpu.memref_slice %arg10[%dma_wait3A_73, %dma_wait3A_74] : memref<10240x128xf32, #tpu.memory_space<vmem_shared>> -> memref<10240x128xf32, #tpu.memory_space<vmem_shared>>
      tpu.wait_indirect_dma semaphore(%run_scoped3A_63 : memref<!tpu.dma_semaphore, #tpu.memory_space<semaphore_mem>>) src(%arg15 : memref<80x128xf32, #tpu.memory_space<vmem>>) dst(%dma_wait3A_75 : memref<10240x128xf32, #tpu.memory_space<vmem_shared>>)
      tpu.yield
    }) : () -> ()
    %dma_start3A_46 = arith.constant 124 : i32
    %dma_start3A_47 = arith.constant 0 : i32
    %dma_start3A_48 = tpu.memref_slice %arg13[%dma_start3A_46, %dma_start3A_47] : memref<125x80xi32, #tpu.memory_space<vmem>> -> memref<1x80xi32, #tpu.memory_space<vmem>>
    %dma_start3A_49 = tpu.memref_squeeze %dma_start3A_48 : memref<1x80xi32, #tpu.memory_space<vmem>> -> memref<80xi32, #tpu.memory_space<vmem>>
    %dma_start3A_50 = arith.constant 0 : i32
    %dma_start3A_51 = tpu.memref_slice %arg11[%dma_start3A_50] : memref<10240xf32, #tpu.memory_space<vmem_shared>> -> memref<10240xf32, #tpu.memory_space<vmem_shared>>
    tpu.enqueue_indirect_dma source(%arg14 : memref<80xf32, #tpu.memory_space<vmem>>) target(%dma_start3A_51 : memref<10240xf32, #tpu.memory_space<vmem_shared>>) offsets(%dma_start3A_49 : memref<80xi32, #tpu.memory_space<vmem>>) semaphore(%arg21 : memref<!tpu.dma_semaphore, #tpu.memory_space<semaphore_mem>>) {add = true}
    %dma_wait3A_52 = tpu.memref_slice %arg3[%multiple_of3A] : memref<320000xi32, #tpu.memory_space<hbm>> -> memref<10000xi32, #tpu.memory_space<hbm>>
    %dma_wait3A_53 = tpu.memref_slice %arg3[%multiple_of3A] : memref<320000xi32, #tpu.memory_space<hbm>> -> memref<10000xi32, #tpu.memory_space<hbm>>
    tpu.wait_dma2 semaphore(%arg21 : memref<!tpu.dma_semaphore, #tpu.memory_space<semaphore_mem>>) src(%dma_wait3A_53 : memref<10000xi32, #tpu.memory_space<hbm>>) dst(%arg12 : memref<10000xi32, #tpu.memory_space<vmem>>)
    %barrier3A_54 = arith.constant 0 : index
    tpu.barrier barrier_id(%barrier3A_54)
    %mul3A_55 = arith.constant 640 : i32
    %mul3A_56 = arith.muli %arg1, %mul3A_55 : i32
    %mul3A_57 = arith.constant 640 : i32
    %mul3A_58 = arith.muli %arg1, %mul3A_57 : i32
    "tpu.region"() ({
      %run_scoped3A_63 = tpu.sem_alloc : memref<!tpu.dma_semaphore, #tpu.memory_space<semaphore_mem>>
      %dma_start3A_64 = arith.constant 0 : i32
      %dma_start3A_65 = tpu.memref_slice %arg8[%arg0, %mul3A_58, %dma_start3A_64] : memref<2x10240x128xf32, #tpu.memory_space<hbm>> -> memref<1x640x128xf32, #tpu.memory_space<hbm>>
      %dma_start3A_66 = tpu.memref_squeeze %dma_start3A_65 : memref<1x640x128xf32, #tpu.memory_space<hbm>> -> memref<640x128xf32, #tpu.memory_space<hbm>>
      %dma_start3A_67 = arith.constant 0 : i32
      %dma_start3A_68 = tpu.memref_slice %arg10[%mul3A_56, %dma_start3A_67] : memref<10240x128xf32, #tpu.memory_space<vmem_shared>> -> memref<640x128xf32, #tpu.memory_space<vmem_shared>>
      tpu.enqueue_dma source(%dma_start3A_68 : memref<640x128xf32, #tpu.memory_space<vmem_shared>>) target(%dma_start3A_66 : memref<640x128xf32, #tpu.memory_space<hbm>>) target_semaphore(%run_scoped3A_63 : memref<!tpu.dma_semaphore, #tpu.memory_space<semaphore_mem>>)
      %dma_wait3A_69 = arith.constant 0 : i32
      %dma_wait3A_70 = tpu.memref_slice %arg8[%arg0, %mul3A_58, %dma_wait3A_69] : memref<2x10240x128xf32, #tpu.memory_space<hbm>> -> memref<1x640x128xf32, #tpu.memory_space<hbm>>
      %dma_wait3A_71 = tpu.memref_squeeze %dma_wait3A_70 : memref<1x640x128xf32, #tpu.memory_space<hbm>> -> memref<640x128xf32, #tpu.memory_space<hbm>>
      %dma_wait3A_72 = arith.constant 0 : i32
      %dma_wait3A_73 = tpu.memref_slice %arg10[%mul3A_56, %dma_wait3A_72] : memref<10240x128xf32, #tpu.memory_space<vmem_shared>> -> memref<640x128xf32, #tpu.memory_space<vmem_shared>>
      tpu.wait_dma2 semaphore(%run_scoped3A_63 : memref<!tpu.dma_semaphore, #tpu.memory_space<semaphore_mem>>) src(%dma_wait3A_73 : memref<640x128xf32, #tpu.memory_space<vmem_shared>>) dst(%dma_wait3A_71 : memref<640x128xf32, #tpu.memory_space<hbm>>)
      tpu.yield
    }) : () -> ()
    %mul3A_59 = arith.constant 640 : i32
    %mul3A_60 = arith.muli %arg1, %mul3A_59 : i32
    %mul3A_61 = arith.constant 640 : i32
    %mul3A_62 = arith.muli %arg1, %mul3A_61 : i32
    "tpu.region"() ({
      %run_scoped3A_63 = tpu.sem_alloc : memref<!tpu.dma_semaphore, #tpu.memory_space<semaphore_mem>>
      %dma_start3A_64 = tpu.memref_slice %arg9[%arg0, %mul3A_62] : memref<2x10240xf32, #tpu.memory_space<hbm>> -> memref<1x640xf32, #tpu.memory_space<hbm>>
      %dma_start3A_65 = tpu.memref_squeeze %dma_start3A_64 : memref<1x640xf32, #tpu.memory_space<hbm>> -> memref<640xf32, #tpu.memory_space<hbm>>
      %dma_start3A_66 = tpu.memref_slice %arg11[%mul3A_60] : memref<10240xf32, #tpu.memory_space<vmem_shared>> -> memref<640xf32, #tpu.memory_space<vmem_shared>>
      tpu.enqueue_dma source(%dma_start3A_66 : memref<640xf32, #tpu.memory_space<vmem_shared>>) target(%dma_start3A_65 : memref<640xf32, #tpu.memory_space<hbm>>) target_semaphore(%run_scoped3A_63 : memref<!tpu.dma_semaphore, #tpu.memory_space<semaphore_mem>>)
      %dma_wait3A_67 = tpu.memref_slice %arg9[%arg0, %mul3A_62] : memref<2x10240xf32, #tpu.memory_space<hbm>> -> memref<1x640xf32, #tpu.memory_space<hbm>>
      %dma_wait3A_68 = tpu.memref_squeeze %dma_wait3A_67 : memref<1x640xf32, #tpu.memory_space<hbm>> -> memref<640xf32, #tpu.memory_space<hbm>>
      %dma_wait3A_69 = tpu.memref_slice %arg11[%mul3A_60] : memref<10240xf32, #tpu.memory_space<vmem_shared>> -> memref<640xf32, #tpu.memory_space<vmem_shared>>
      tpu.wait_dma2 semaphore(%run_scoped3A_63 : memref<!tpu.dma_semaphore, #tpu.memory_space<semaphore_mem>>) src(%dma_wait3A_69 : memref<640xf32, #tpu.memory_space<vmem_shared>>) dst(%dma_wait3A_68 : memref<640xf32, #tpu.memory_space<hbm>>)
      tpu.yield
    }) : () -> ()
    return
  }
}

module attributes {stable_mosaic.version = 14 : i64} {
  func.func @_pre_body(%arg0: memref<10000x128xf32, #tpu.memory_space<vmem>>, %arg1: memref<128x128xf32, #tpu.memory_space<vmem>>, %arg2: memref<1x128xf32, #tpu.memory_space<vmem>>, %arg3: memref<10000x128xf32, #tpu.memory_space<vmem>>) attributes {dimension_semantics = [], scalar_prefetch = 0 : i64, scratch_operands = 0 : i64, tpu.core_type = #tpu.core_type<tc>} {
    %get3A = arith.constant 0 : index
    %get3A_0 = arith.constant 0 : index
    %get3A_1 = vector.load %arg0[%get3A, %get3A_0] : memref<10000x128xf32, #tpu.memory_space<vmem>>, vector<10000x128xf32>
    %get3A_2 = arith.constant 0 : index
    %get3A_3 = arith.constant 0 : index
    %get3A_4 = vector.load %arg1[%get3A_2, %get3A_3] : memref<128x128xf32, #tpu.memory_space<vmem>>, vector<128x128xf32>
    %dot_general3A = arith.constant dense<0.000000e+00> : vector<10000x128xf32>
    %dot_general3A_5 = tpu.matmul %get3A_1, %get3A_4, %dot_general3A {dimension_numbers = #tpu.dot_dimension_numbers<[1], [0], [0], [1], [0, 0, 1, 1], [], []>, transpose_lhs_hint = false} : vector<10000x128xf32>, vector<128x128xf32>, vector<10000x128xf32> -> vector<10000x128xf32>
    %get3A_6 = arith.constant 0 : index
    %get3A_7 = arith.constant 0 : index
    %get3A_8 = vector.load %arg2[%get3A_6, %get3A_7] : memref<1x128xf32, #tpu.memory_space<vmem>>, vector<1x128xf32>
    %add3A = vector.broadcast %get3A_8 : vector<1x128xf32> to vector<10000x128xf32>
    %add3A_9 = arith.addf %dot_general3A_5, %add3A : vector<10000x128xf32>
    %ge3A = arith.constant 0.000000e+00 : f32
    %ge3A_10 = vector.broadcast %ge3A : f32 to vector<10000x128xf32>
    %ge3A_11 = arith.cmpf oge, %add3A_9, %ge3A_10 : vector<10000x128xf32>
    %mul3A = arith.constant 0.00999999977 : f32
    %mul3A_12 = vector.broadcast %mul3A : f32 to vector<10000x128xf32>
    %mul3A_13 = arith.mulf %mul3A_12, %add3A_9 : vector<10000x128xf32>
    %select_n3A = arith.select %ge3A_11, %add3A_9, %mul3A_13 : vector<10000x128xi1>, vector<10000x128xf32>
    %swap3A = arith.constant 0 : index
    %swap3A_14 = arith.constant 0 : index
    %swap3A_15 = vector.load %arg3[%swap3A, %swap3A_14] : memref<10000x128xf32, #tpu.memory_space<vmem>>, vector<10000x128xf32>
    tpu.vector_store %arg3[%swap3A, %swap3A_14], %select_n3A {strides = array<i32>} : memref<10000x128xf32, #tpu.memory_space<vmem>>, vector<10000x128xf32>,
    return
  }
}

module attributes {stable_mosaic.version = 14 : i64} {
  func.func @_combine_body(%arg0: memref<2x10240x128xf32, #tpu.memory_space<vmem>>, %arg1: memref<2x10240x1xf32, #tpu.memory_space<vmem>>, %arg2: memref<10000x128xf32, #tpu.memory_space<vmem>>, %arg3: memref<128x128xf32, #tpu.memory_space<vmem>>, %arg4: memref<1x128xf32, #tpu.memory_space<vmem>>, %arg5: memref<128x128xf32, #tpu.memory_space<vmem>>, %arg6: memref<10000x128xf32, #tpu.memory_space<vmem>>) attributes {dimension_semantics = [], scalar_prefetch = 0 : i64, scratch_operands = 0 : i64, tpu.core_type = #tpu.core_type<tc>} {
    %get3A = arith.constant 0 : index
    %get3A_0 = arith.constant 0 : index
    %get3A_1 = arith.constant 0 : index
    %get3A_2 = vector.load %arg0[%get3A, %get3A_0, %get3A_1] : memref<2x10240x128xf32, #tpu.memory_space<vmem>>, vector<1x10000x128xf32>
    %get3A_3 = vector.shape_cast %get3A_2 : vector<1x10000x128xf32> to vector<10000x128xf32>
    %get3A_4 = arith.constant 1 : index
    %get3A_5 = arith.constant 0 : index
    %get3A_6 = arith.constant 0 : index
    %get3A_7 = vector.load %arg0[%get3A_4, %get3A_5, %get3A_6] : memref<2x10240x128xf32, #tpu.memory_space<vmem>>, vector<1x10000x128xf32>
    %get3A_8 = vector.shape_cast %get3A_7 : vector<1x10000x128xf32> to vector<10000x128xf32>
    %add3A = arith.addf %get3A_3, %get3A_8 : vector<10000x128xf32>
    %get3A_9 = arith.constant 0 : index
    %get3A_10 = arith.constant 0 : index
    %get3A_11 = arith.constant 0 : index
    %get3A_12 = vector.load %arg1[%get3A_9, %get3A_10, %get3A_11] : memref<2x10240x1xf32, #tpu.memory_space<vmem>>, vector<1x10000x1xf32>
    %get3A_13 = vector.shape_cast %get3A_12 : vector<1x10000x1xf32> to vector<10000x1xf32>
    %get3A_14 = arith.constant 1 : index
    %get3A_15 = arith.constant 0 : index
    %get3A_16 = arith.constant 0 : index
    %get3A_17 = vector.load %arg1[%get3A_14, %get3A_15, %get3A_16] : memref<2x10240x1xf32, #tpu.memory_space<vmem>>, vector<1x10000x1xf32>
    %get3A_18 = vector.shape_cast %get3A_17 : vector<1x10000x1xf32> to vector<10000x1xf32>
    %add3A_19 = arith.addf %get3A_13, %get3A_18 : vector<10000x1xf32>
    %max3A = arith.constant 1.000000e+00 : f32
    %max3A_20 = vector.broadcast %max3A : f32 to vector<10000x1xf32>
    %max3A_21 = arith.maximumf %add3A_19, %max3A_20 : vector<10000x1xf32>
    %div3A = vector.broadcast %max3A_21 : vector<10000x1xf32> to vector<10000x128xf32>
    %div3A_22 = arith.divf %add3A, %div3A : vector<10000x128xf32>
    %get3A_23 = arith.constant 0 : index
    %get3A_24 = arith.constant 0 : index
    %get3A_25 = vector.load %arg3[%get3A_23, %get3A_24] : memref<128x128xf32, #tpu.memory_space<vmem>>, vector<128x128xf32>
    %dot_general3A = arith.constant dense<0.000000e+00> : vector<10000x128xf32>
    %dot_general3A_26 = tpu.matmul %div3A_22, %get3A_25, %dot_general3A {dimension_numbers = #tpu.dot_dimension_numbers<[1], [0], [0], [1], [0, 0, 1, 1], [], []>, transpose_lhs_hint = false} : vector<10000x128xf32>, vector<128x128xf32>, vector<10000x128xf32> -> vector<10000x128xf32>
    %get3A_27 = arith.constant 0 : index
    %get3A_28 = arith.constant 0 : index
    %get3A_29 = vector.load %arg4[%get3A_27, %get3A_28] : memref<1x128xf32, #tpu.memory_space<vmem>>, vector<1x128xf32>
    %add3A_30 = vector.broadcast %get3A_29 : vector<1x128xf32> to vector<10000x128xf32>
    %add3A_31 = arith.addf %dot_general3A_26, %add3A_30 : vector<10000x128xf32>
    %get3A_32 = arith.constant 0 : index
    %get3A_33 = arith.constant 0 : index
    %get3A_34 = vector.load %arg2[%get3A_32, %get3A_33] : memref<10000x128xf32, #tpu.memory_space<vmem>>, vector<10000x128xf32>
    %get3A_35 = arith.constant 0 : index
    %get3A_36 = arith.constant 0 : index
    %get3A_37 = vector.load %arg5[%get3A_35, %get3A_36] : memref<128x128xf32, #tpu.memory_space<vmem>>, vector<128x128xf32>
    %dot_general3A_38 = arith.constant dense<0.000000e+00> : vector<10000x128xf32>
    %dot_general3A_39 = tpu.matmul %get3A_34, %get3A_37, %dot_general3A_38 {dimension_numbers = #tpu.dot_dimension_numbers<[1], [0], [0], [1], [0, 0, 1, 1], [], []>, transpose_lhs_hint = false} : vector<10000x128xf32>, vector<128x128xf32>, vector<10000x128xf32> -> vector<10000x128xf32>
    %add3A_40 = arith.addf %add3A_31, %dot_general3A_39 : vector<10000x128xf32>
    %ge3A = arith.constant 0.000000e+00 : f32
    %ge3A_41 = vector.broadcast %ge3A : f32 to vector<10000x128xf32>
    %ge3A_42 = arith.cmpf oge, %add3A_40, %ge3A_41 : vector<10000x128xf32>
    %mul3A = arith.constant 0.00999999977 : f32
    %mul3A_43 = vector.broadcast %mul3A : f32 to vector<10000x128xf32>
    %mul3A_44 = arith.mulf %mul3A_43, %add3A_40 : vector<10000x128xf32>
    %select_n3A = arith.select %ge3A_42, %add3A_40, %mul3A_44 : vector<10000x128xi1>, vector<10000x128xf32>
    %get3A_45 = arith.constant 0 : index
    %get3A_46 = arith.constant 0 : index
    %get3A_47 = vector.load %arg2[%get3A_45, %get3A_46] : memref<10000x128xf32, #tpu.memory_space<vmem>>, vector<10000x128xf32>
    %add3A_48 = arith.addf %select_n3A, %get3A_47 : vector<10000x128xf32>
    %swap3A = arith.constant 0 : index
    %swap3A_49 = arith.constant 0 : index
    %swap3A_50 = vector.load %arg6[%swap3A, %swap3A_49] : memref<10000x128xf32, #tpu.memory_space<vmem>>, vector<10000x128xf32>
    tpu.vector_store %arg6[%swap3A, %swap3A_49], %add3A_48 {strides = array<i32>} : memref<10000x128xf32, #tpu.memory_space<vmem>>, vector<10000x128xf32>,
    return
  }
}

module attributes {stable_mosaic.version = 14 : i64} {
  func.func @_combine_post_body(%arg0: memref<2x10240x128xf32, #tpu.memory_space<vmem>>, %arg1: memref<2x10240x1xf32, #tpu.memory_space<vmem>>, %arg2: memref<10000x128xf32, #tpu.memory_space<vmem>>, %arg3: memref<128x128xf32, #tpu.memory_space<vmem>>, %arg4: memref<1x128xf32, #tpu.memory_space<vmem>>, %arg5: memref<128x128xf32, #tpu.memory_space<vmem>>, %arg6: memref<128x128xf32, #tpu.memory_space<vmem>>, %arg7: memref<1x128xf32, #tpu.memory_space<vmem>>, %arg8: memref<10000x128xf32, #tpu.memory_space<vmem>>) attributes {dimension_semantics = [], scalar_prefetch = 0 : i64, scratch_operands = 0 : i64, tpu.core_type = #tpu.core_type<tc>} {
    %get3A = arith.constant 0 : index
    %get3A_0 = arith.constant 0 : index
    %get3A_1 = arith.constant 0 : index
    %get3A_2 = vector.load %arg0[%get3A, %get3A_0, %get3A_1] : memref<2x10240x128xf32, #tpu.memory_space<vmem>>, vector<1x10000x128xf32>
    %get3A_3 = vector.shape_cast %get3A_2 : vector<1x10000x128xf32> to vector<10000x128xf32>
    %get3A_4 = arith.constant 1 : index
    %get3A_5 = arith.constant 0 : index
    %get3A_6 = arith.constant 0 : index
    %get3A_7 = vector.load %arg0[%get3A_4, %get3A_5, %get3A_6] : memref<2x10240x128xf32, #tpu.memory_space<vmem>>, vector<1x10000x128xf32>
    %get3A_8 = vector.shape_cast %get3A_7 : vector<1x10000x128xf32> to vector<10000x128xf32>
    %add3A = arith.addf %get3A_3, %get3A_8 : vector<10000x128xf32>
    %get3A_9 = arith.constant 0 : index
    %get3A_10 = arith.constant 0 : index
    %get3A_11 = arith.constant 0 : index
    %get3A_12 = vector.load %arg1[%get3A_9, %get3A_10, %get3A_11] : memref<2x10240x1xf32, #tpu.memory_space<vmem>>, vector<1x10000x1xf32>
    %get3A_13 = vector.shape_cast %get3A_12 : vector<1x10000x1xf32> to vector<10000x1xf32>
    %get3A_14 = arith.constant 1 : index
    %get3A_15 = arith.constant 0 : index
    %get3A_16 = arith.constant 0 : index
    %get3A_17 = vector.load %arg1[%get3A_14, %get3A_15, %get3A_16] : memref<2x10240x1xf32, #tpu.memory_space<vmem>>, vector<1x10000x1xf32>
    %get3A_18 = vector.shape_cast %get3A_17 : vector<1x10000x1xf32> to vector<10000x1xf32>
    %add3A_19 = arith.addf %get3A_13, %get3A_18 : vector<10000x1xf32>
    %max3A = arith.constant 1.000000e+00 : f32
    %max3A_20 = vector.broadcast %max3A : f32 to vector<10000x1xf32>
    %max3A_21 = arith.maximumf %add3A_19, %max3A_20 : vector<10000x1xf32>
    %div3A = vector.broadcast %max3A_21 : vector<10000x1xf32> to vector<10000x128xf32>
    %div3A_22 = arith.divf %add3A, %div3A : vector<10000x128xf32>
    %get3A_23 = arith.constant 0 : index
    %get3A_24 = arith.constant 0 : index
    %get3A_25 = vector.load %arg3[%get3A_23, %get3A_24] : memref<128x128xf32, #tpu.memory_space<vmem>>, vector<128x128xf32>
    %dot_general3A = arith.constant dense<0.000000e+00> : vector<10000x128xf32>
    %dot_general3A_26 = tpu.matmul %div3A_22, %get3A_25, %dot_general3A {dimension_numbers = #tpu.dot_dimension_numbers<[1], [0], [0], [1], [0, 0, 1, 1], [], []>, transpose_lhs_hint = false} : vector<10000x128xf32>, vector<128x128xf32>, vector<10000x128xf32> -> vector<10000x128xf32>
    %get3A_27 = arith.constant 0 : index
    %get3A_28 = arith.constant 0 : index
    %get3A_29 = vector.load %arg4[%get3A_27, %get3A_28] : memref<1x128xf32, #tpu.memory_space<vmem>>, vector<1x128xf32>
    %add3A_30 = vector.broadcast %get3A_29 : vector<1x128xf32> to vector<10000x128xf32>
    %add3A_31 = arith.addf %dot_general3A_26, %add3A_30 : vector<10000x128xf32>
    %get3A_32 = arith.constant 0 : index
    %get3A_33 = arith.constant 0 : index
    %get3A_34 = vector.load %arg2[%get3A_32, %get3A_33] : memref<10000x128xf32, #tpu.memory_space<vmem>>, vector<10000x128xf32>
    %get3A_35 = arith.constant 0 : index
    %get3A_36 = arith.constant 0 : index
    %get3A_37 = vector.load %arg5[%get3A_35, %get3A_36] : memref<128x128xf32, #tpu.memory_space<vmem>>, vector<128x128xf32>
    %dot_general3A_38 = arith.constant dense<0.000000e+00> : vector<10000x128xf32>
    %dot_general3A_39 = tpu.matmul %get3A_34, %get3A_37, %dot_general3A_38 {dimension_numbers = #tpu.dot_dimension_numbers<[1], [0], [0], [1], [0, 0, 1, 1], [], []>, transpose_lhs_hint = false} : vector<10000x128xf32>, vector<128x128xf32>, vector<10000x128xf32> -> vector<10000x128xf32>
    %add3A_40 = arith.addf %add3A_31, %dot_general3A_39 : vector<10000x128xf32>
    %ge3A = arith.constant 0.000000e+00 : f32
    %ge3A_41 = vector.broadcast %ge3A : f32 to vector<10000x128xf32>
    %ge3A_42 = arith.cmpf oge, %add3A_40, %ge3A_41 : vector<10000x128xf32>
    %mul3A = arith.constant 0.00999999977 : f32
    %mul3A_43 = vector.broadcast %mul3A : f32 to vector<10000x128xf32>
    %mul3A_44 = arith.mulf %mul3A_43, %add3A_40 : vector<10000x128xf32>
    %select_n3A = arith.select %ge3A_42, %add3A_40, %mul3A_44 : vector<10000x128xi1>, vector<10000x128xf32>
    %get3A_45 = arith.constant 0 : index
    %get3A_46 = arith.constant 0 : index
    %get3A_47 = vector.load %arg2[%get3A_45, %get3A_46] : memref<10000x128xf32, #tpu.memory_space<vmem>>, vector<10000x128xf32>
    %add3A_48 = arith.addf %select_n3A, %get3A_47 : vector<10000x128xf32>
    %get3A_49 = arith.constant 0 : index
    %get3A_50 = arith.constant 0 : index
    %get3A_51 = vector.load %arg6[%get3A_49, %get3A_50] : memref<128x128xf32, #tpu.memory_space<vmem>>, vector<128x128xf32>
    %dot_general3A_52 = arith.constant dense<0.000000e+00> : vector<10000x128xf32>
    %dot_general3A_53 = tpu.matmul %add3A_48, %get3A_51, %dot_general3A_52 {dimension_numbers = #tpu.dot_dimension_numbers<[1], [0], [0], [1], [0, 0, 1, 1], [], []>, transpose_lhs_hint = false} : vector<10000x128xf32>, vector<128x128xf32>, vector<10000x128xf32> -> vector<10000x128xf32>
    %get3A_54 = arith.constant 0 : index
    %get3A_55 = arith.constant 0 : index
    %get3A_56 = vector.load %arg7[%get3A_54, %get3A_55] : memref<1x128xf32, #tpu.memory_space<vmem>>, vector<1x128xf32>
    %add3A_57 = vector.broadcast %get3A_56 : vector<1x128xf32> to vector<10000x128xf32>
    %add3A_58 = arith.addf %dot_general3A_53, %add3A_57 : vector<10000x128xf32>
    %swap3A = arith.constant 0 : index
    %swap3A_59 = arith.constant 0 : index
    %swap3A_60 = vector.load %arg8[%swap3A, %swap3A_59] : memref<10000x128xf32, #tpu.memory_space<vmem>>, vector<10000x128xf32>
    tpu.vector_store %arg8[%swap3A, %swap3A_59], %add3A_58 {strides = array<i32>} : memref<10000x128xf32, #tpu.memory_space<vmem>>, vector<10000x128xf32>,
    return
  }
}

</mosaic_0001>

<sc_bundles>
// kernel: kernel.10.cloned.1.call-start
scs
__scs_entry_jumppad:
0x0: {  	(pc) =	sbr.rel $0x88, $3  }
0x1: {  	(tag) =	ssettag $0x0;
	lr =	simm.s32 $0x1  }
0x2: {  	[smem:$0x3F95] =	sst lr;
	_ =	strace $0xD0000000  }
0x3: {  	_ = 	snop  }
0x4: {  	_ = 	snop  }
0x5: {  	_ = 	snop  }
0x6: {  	_ = 	snop  }
0x7: {  	_ = 	snop  }
__scs_overlays_trampoline_lowered:
0x8: {  	[smem:$0x3FA4] =	sst s0  }
0x9: {  	[smem:$0x3FA5] =	sst s1  }
0xa: {  	[smem:$0x3FA6] =	sst s2  }
0xb: {  	[smem:$0x3FA7] =	sst s3  }
0xc: {  	[smem:$0x3FA8] =	sst s4  }
0xd: {  	[smem:$0x3FA9] =	sst s5  }
0xe: {  	[smem:$0x3FAA] =	sst s6  }
0xf: {  	[smem:$0x3FAB] =	sst s7  }
0x10: {  	[smem:$0x3FAC] =	sst s8  }
0x11: {  	[smem:$0x3FAD] =	sst s9;
	s0 =	simm.s32 @!p0 $0x0  }
0x12: {  	s1 =	sld [smem:$0x3F93];
	s0 =	simm.s32 @p0 $0x1  }
0x13: {  	[smem:$0x3FAE] =	sst s0;
	s0 =	simm.s32 @!p1 $0x0  }
0x14: {  	s2 =	sld [smem:$0x3F92];
	s0 =	simm.s32 @p1 $0x1  }
0x15: {  	[smem:$0x3FAF] =	sst s0;
	s0 =	simm.s32 @!p2 $0x0  }
0x16: {  	s3 =	sld [smem:$0x3FDB];
	s0 =	simm.s32 @p2 $0x1  }
0x17: {  	s4 =	simm.s32 $0x1BF5;
	[smem:$0x3FB1] =	sst s0  }
0x18: {  	s0 =	sld [smem:$0x3F94];
	_ =	swait.ge [sflag:s4], $0x0  }
0x19: {  	s7 =	sld [smem:$0x3F95]  }
0x1a: {  	s8 =	sadd.s32 $0xFFFFE003, lr  }
0x1b: {  	s9 =	sadd.s32 $0xFFFFFEF7, lr;
	s5 =	simm.s32 $0xFFFFFFFF;
	p2 =	slt.u32 s8, $0xFFFFF086  }
0x1c: {  	p1 =	slt.u32 s9, $0xF7A;
	s5 =	simm.s32 @!p2 $0x0  }
0x1d: {  	s5 =	simm.s32 @p1 $0x1;
	p0 =	seq.s32 s7, s2  }
0x1e: {  	s7 =	smul.u32 @!p0 $0xF7A, s2;
	p2 =	seq.s32 @!p0 s5, $0x0  }
0x1f: {  	s9 =	smul.u32 $0xF7A, s1;
	s8 =	simm.s32 @!p0 $0x1BF5;
	p2 =	por !p2, p0  }
0x20: {  	[sflag:s8] =	ssyncset.s32 @!p0 $0xFFFFF086;
	s6 =	sadd.s32 @!p0 s3, s7;
	s7 =	simm.s32 @!p0 $0x108  }
0x21: {  	s3 =	sadd.s32 s3, s9;
	s6 =	sadd.s32 @!p0 $0x88, s6;
	s7 =	simm.s32 @p2 $0x1082  }
0x22: {  	[simem:s7], [sflag:s8] =	dma.local @!p0 [hbm:s6], $0xF7A  }
0x23: {  	s9 =	sor.u32 $0xD0000000, s2;
	s6 =	simm.s32 $0x108;
	_ =	swait.ge @!p0 [sflag:s8], $0x0  }
0x24: {  	s3 =	sadd.s32 $0x88, s3;
	s6 =	simm.s32 @!p1 $0x1082;
	[sflag:s4] =	ssyncset.s32 $0xFFFFF086  }
0x25: {  	[simem:s6], [sflag:s4] =	dma.local [hbm:s3], $0xF7A  }
0x26: {  	[smem:$0x3F95] =	sst s1;
	(tag) =	ssettag s2;
	_ =	strace s9  }
0x27: {  	s1 =	sld [smem:$0x3FA5]  }
0x28: {  	s2 =	sld [smem:$0x3FA6]  }
0x29: {  	s4 =	sld [smem:$0x3FA8]  }
0x2a: {  	p0 =	seq.s32 s5, $0x0;
	s5 =	sld [smem:$0x3FA9]  }
0x2b: {  	s6 =	sld [smem:$0x3FAA]  }
0x2c: {  	s7 =	sld [smem:$0x3FAB]  }
0x2d: {  	s3 =	simm.s32 $0x108;
	s8 =	sld [smem:$0x3FAC]  }
0x2e: {  	s3 =	simm.s32 @!p0 $0x1082;
	s9 =	sld [smem:$0x3FAD]  }
0x2f: {  	lr =	sadd.s32 s0, s3;
	s0 =	sld [smem:$0x3FA4]  }
0x30: {  	s3 =	sld [smem:$0x3FA7]  }
0x31: {  	[smem:$0x3FB0] =	sst s10  }
0x32: {  	s10 =	sld [smem:$0x3FAE];
	_ =	sdelay $0x3  }
0x33: {  	p0 =	seq.s32 s10, $0x1;
	s10 =	sld [smem:$0x3FB0];
	_ =	sdelay $0x3  }
0x34: {  	[smem:$0x3FB0] =	sst s10  }
0x35: {  	s10 =	sld [smem:$0x3FAF];
	_ =	sdelay $0x3  }
0x36: {  	p1 =	seq.s32 s10, $0x1;
	s10 =	sld [smem:$0x3FB0];
	_ =	sdelay $0x3  }
0x37: {  	[smem:$0x3FB0] =	sst s10  }
0x38: {  	s10 =	sld [smem:$0x3FB1]  }
0x39: {  	_ = 	snop;
	(pc) =	sbr.ind lr, $3  }
0x3a: {  	_ = 	snop  }
0x3b: {  	_ = 	snop  }
0x3c: {  	p2 =	seq.s32 s10, $0x1;
	s10 =	sld [smem:$0x3FB0]  }
0x3d: {  	_ =	shalt  }
0x3e: {  	_ =	shalt  }
0x3f: {  	_ =	shalt  }
0x40: {  	_ =	shalt  }
0x41: {  	_ =	shalt  }
0x42: {  	_ =	shalt  }
0x43: {  	_ =	shalt  }
0x44: {  	_ =	shalt  }
0x45: {  	_ =	shalt  }
0x46: {  	_ =	shalt  }
0x47: {  	_ =	shalt  }
0x48: {  	_ =	shalt  }
0x49: {  	_ =	shalt  }
0x4a: {  	_ =	shalt  }
0x4b: {  	_ =	shalt  }
0x4c: {  	_ =	shalt  }
0x4d: {  	_ =	shalt  }
0x4e: {  	_ =	shalt  }
0x4f: {  	_ =	shalt  }
0x50: {  	_ =	shalt  }
0x51: {  	_ =	shalt  }
0x52: {  	_ =	shalt  }
0x53: {  	_ =	shalt  }
0x54: {  	_ =	shalt  }
0x55: {  	_ =	shalt  }
0x56: {  	_ =	shalt  }
0x57: {  	_ =	shalt  }
0x58: {  	_ =	shalt  }
0x59: {  	_ =	shalt  }
0x5a: {  	_ =	shalt  }
0x5b: {  	_ =	shalt  }
0x5c: {  	_ =	shalt  }
0x5d: {  	_ =	shalt  }
0x5e: {  	_ =	shalt  }
0x5f: {  	_ =	shalt  }
0x60: {  	_ =	shalt  }
0x61: {  	_ =	shalt  }
0x62: {  	_ =	shalt  }
0x63: {  	_ =	shalt  }
0x64: {  	_ =	shalt  }
0x65: {  	_ =	shalt  }
0x66: {  	_ =	shalt  }
0x67: {  	_ =	shalt  }
0x68: {  	_ =	shalt  }
0x69: {  	_ =	shalt  }
0x6a: {  	_ =	shalt  }
0x6b: {  	_ =	shalt  }
0x6c: {  	_ =	shalt  }
0x6d: {  	_ =	shalt  }
0x6e: {  	_ =	shalt  }
0x6f: {  	_ =	shalt  }
0x70: {  	_ =	shalt  }
0x71: {  	_ =	shalt  }
0x72: {  	_ =	shalt  }
0x73: {  	_ =	shalt  }
0x74: {  	_ =	shalt  }
0x75: {  	_ =	shalt  }
0x76: {  	_ =	shalt  }
0x77: {  	_ =	shalt  }
0x78: {  	_ =	shalt  }
0x79: {  	_ =	shalt  }
0x7a: {  	_ =	shalt  }
0x7b: {  	_ =	shalt  }
0x7c: {  	_ =	shalt  }
0x7d: {  	_ =	shalt  }
0x7e: {  	_ =	shalt  }
0x7f: {  	_ =	shalt  }
0x80: {  	_ =	shalt  }
0x81: {  	_ =	shalt  }
0x82: {  	_ =	shalt  }
0x83: {  	_ =	shalt  }
0x84: {  	_ =	shalt  }
0x85: {  	_ =	shalt  }
0x86: {  	_ =	shalt  }
0x87: {  	_ =	shalt  }
.Lfunc_end0:
.L_simem_size_0:
called_computation.1_lowered:
.L_overlay_start_0:
0x88: {  	s2 =	sld [smem:$0x3FD9]  }
0x89: {  	s3 =	sld [smem:$0x3FFE];
	_ =	sdelay $0x1  }
0x8a: {  	s1 =	srdreg.scid  }
0x8b: {  	s0 =	sand.u32 $0x1, s1  }
0x8c: {  	s17 =	sshll.u32 s0, $0xA;
	s2 =	sadd.s32 s3, s2  }
0x8d: {  	s2 =	sadd.s32 s2, s17  }
0x8e: {  	[smem:$0x3FBC] =	sst s2  }
0x8f: {  	_ = 	snop  }
0x90: {  	s2 =	sld [smem:$0x3FD0];
	(tm) =	ssettm $0x1  }
0x91: {  	s18 =	sld [smem:$0x3FFB];
	_ =	sdelay $0x3  }
0x92: {  	_ =	strace s18  }
0x93: {  	s3 =	sld [smem:$0x3FFC];
	_ =	sdelay $0x3  }
0x94: {  	_ =	strace s3  }
0x95: {  	s3 =	sld [smem:$0x3FFD];
	_ =	sdelay $0x3  }
0x96: {  	_ =	strace s3  }
0x97: {  	_ =	strace $0x8FFFFFFF  }
0x98: {  	s19 =	sld [smem:$0x3FDB];
	_ =	sdelay $0x1  }
0x99: {  	s4 =	simm.s32 $_scs_section_size  }
0x9a: {  	s5 =	simm.s32 $_size__tile_overlayer_lowered;
	s6 =	simm.s32 $_tile_overlayer_lowered  }
0x9b: {  	s22 =	simm.s32 $0x1BFF;
	s21 =	sshll.u32 s6, $0x1;
	s3 =	sadd.s32 s4, s19  }
0x9c: {  	s7 =	simm.s32 $0x0;
	s20 =	sshll.u32 s5, $0x1;
	s5 =	sadd.s32 s21, s3  }
0x9d: {  	[timem:s7], [sflag:s22] =	dma.local [hbm:s5], s20  }
0x9e: {  	_ =	swait.ge [sflag:s22], s20  }
0x9f: {  	s4 =	ssub.s32 $0x0, s20;
	[sflag:s22] =	ssyncset.done $0x0  }
0xa0: {  	[sflag:s22] =	ssyncadd.s32 s4;
	_ =	sdelay $0x1  }
0xa1: {  	s23 =	simm.s32 $0x1B8B  }
0xa2: {  	_ =	swait.ge [sflag:s23], $0x1  }
0xa3: {  	[sflag:s23] =	ssyncset.done $0x0  }
0xa4: {  	s25 =	simm.s32 $0x1B8E;
	s24 =	sld [smem:$0x3FFE];
	[sflag:s23] =	ssyncadd.s32 $0xFFFFFFFF  }
0xa5: {  	s26 =	simm.s32 $execute0_lowered;
	[smem:$0x3FD2] =	sst s25  }
0xa6: {  	s5 =	sshll.u32 s26, $0x1;
	_ =	strace $0x80000049;
	[dreg:$0x1] =	wrdreg $0xFFFFFFFF  }
0xa7: {  	s28 =	simm.s32 $_size_execute0_lowered;
	s3 =	sadd.s32 s3, s5;
	[dreg:$0x0] =	wrdreg $0x0  }
0xa8: {  	s5 =	sshll.u32 s28, $0x1;
	[dreg:$0x2] =	wrdreg s3  }
0xa9: {  	[dreg:$0x3] =	wrdreg s5  }
0xaa: {  	[dreg:$0x4] =	wrdreg $0xC0  }
0xab: {  	_ =	task [dreg:s7], $0x5FFFF  }
0xac: {  	[dreg:$0x1] =	wrdreg $0xFFFFFFFF  }
0xad: {  	[dreg:$0x0] =	wrdreg $0x60  }
0xae: {  	[dreg:$0x2] =	wrdreg s2  }
0xaf: {  	[dreg:$0x3] =	wrdreg s24  }
0xb0: {  	[dreg:$0x4] =	wrdreg $0x0  }
0xb1: {  	[dreg:$0x5] =	wrdreg $0x140000  }
0xb2: {  	[dreg:$0x6] =	wrdreg $0x9  }
0xb3: {  	_ =	task.clear_ibuf [dreg:s7], $0x7FFFF;
	_ =	strace $0x90000049  }
0xb4: {  	s29 =	simm.s32 $0x9;
	_ =	strace $0x8000004B  }
0xb5: {  	_ =	swait.ge [sflag:s29], $0x1  }
0xb6: {  	[sflag:s29] =	ssyncadd.s32 $0xFFFFFFFF  }
0xb7: {  	_ =	strace $0x9000004B  }
0xb8: {  	_ =	sfence  }
0xb9: {  	s30 =	sld [smem:$0x0];
	_ =	sdelay $0x2  }
0xba: {  	s31 =	sshll.u32 s1, $0xD;
	s1 =	sshrl.u32 s1, $0x2  }
0xbb: {  	s3 =	sand.u32 $0x4000, s31;
	s1 =	sadd.s32 s1, s30  }
0xbc: {  	s0 =	sor.u32 s3, s0;
	s1 =	sshll.u32 s1, $0x11  }
0xbd: {  	s0 =	sor.u32 s1, s0  }
0xbe: {  	s0 =	sadd.s32 $0x8F2B, s0  }
0xbf: {  	[sflag:s0] =	ssyncadd.remote.s32 $0x1  }
0xc0: {  	_ =	sfence.sel $0xFFFF  }
0xc1: {  	[dreg:$0x0] =	wrdreg $0xFFFFFFFF;
	(pc) =	sbr.abs _section_cstart, $3  }
0xc2: {  	[dreg:$0x1] =	wrdreg $0xFFFFFFFF  }
0xc3: {  	_ =	task.clear_ibuf [dreg:s7], $0x2FFFF;
	_ =	strace $0x9FFFFFFF  }
0xc4: {  	(tm) =	ssettm $0x7FFFFFFF  }
0xc5: {  	_ =	shalt  }
tec
execute0_lowered:
.L_overlay_start_1:
0x0: {  	(tag) =	ssettag $0x1  }
0x1: {  	s1 =	rddreg [dreg:$0x0]  }
0x2: {  	s0 =	srdreg.scid;
	s2 =	rddreg [dreg:$0x1]  }
0x3: {  	s14 =	stileid.u32;
	s3 =	rddreg [dreg:$0x2]  }
0x4: {  	s5 =	simm.s32 $0x0;
	s18 =	simm.s32 $0x1AA00;
	s19 =	simm.s32 $0x6  }
0x5: {  	s20 =	simm.s32 $0x14280;
	s28 =	simm.s32 $0x1;
	s9 =	smul.u32 $0x14000, s14  }
0x6: {  	s29 =	simm.s32 $0x2;
	s30 =	simm.s32 $0x1A800;
	s22 =	smul.u32 $0x500, s14  }
0x7: {  	s31 =	simm.s32 $0x5;
	s0 =	sand.u32 $0x1, s0;
	s24 =	smul.u32 $0x50000, s14  }
0x8: {  	[smem:$0x7FF] =	sst s5;
	s21 =	sadd.s32 $0x1D200, s2;
	s26 =	smul.u32 $0xA00, s14  }
0x9: {  	s23 =	sadd.s32 $0x1D000, s2;
	s4 =	sshll.u32 s0, $0x4;
	s8 =	smul.u32 $0x140000, s0  }
0xa: {  	s12 =	sshll.u32 s0, $0x7;
	s6 =	sor.u32 s14, s4;
	s4 =	rddreg [dreg:$0x3]  }
0xb: {  	s0 =	ssub.s32 $0x2, s0;
	_ =	strace $0x8000004A;
	[dreg:$0x5] =	wrdreg s21  }
0xc: {  	[dreg:$0x6] =	wrdreg s23;
	s25 =	sshrl.u32 s0, $0x1;
	s23 =	simm.s32 $0x50  }
0xd: {  	s21 =	simm.s32 $0x0;
	s7 =	smul.u32 $0x4E2, s6;
	s6 =	sshll.u32 s6, $0xB  }
0xe: {  	s8 =	sadd.s32 s9, s8;
	s9 =	sor.u32 s12, s22;
	s0 =	ssub.s32 s0, s25  }
0xf: {  	s12 =	sshrl.u32 s26, $0x2;
	s22 =	simm.s32 $0x4;
	s25 =	simm.s32 $0x3  }
0x10: {  	s26 =	simm.s32 $0x1D280;
	s6 =	sadd.s32 s6, s2;
	s10 =	sshrl.u32 s8, $0x3  }
0x11: {  	s8 =	sadd.s32 $0x1CE00, s2;
	s9 =	sshrl.u32 s9, $0x3;
	s17 =	sadd.s32 s12, s4  }
0x12: {  	s15 =	smax.u32 s0, $0x1;
	s11 =	sadd.s32 s7, s2;
	s13 =	sadd.s32 s10, s2  }
0x13: {  	s2 =	sadd.s32 s9, s2;
	s10 =	sshrl.u32 s24, $0x2;
	s9 =	sshll.u32 s14, $0x6  }
0x14: {  	s12 =	sadd.s32 $0xCE00, s6;
	s17 =	sshrl.u32 s17, $0x3;
	s24 =	simm.s32 $0x1AA80  }
0x15: {  	s16 =	sadd.s32 s10, s3;
	s10 =	sor.u32 $0x1C03, s9;
	s11 =	sadd.s32 $0x3000, s11  }
0x16: {  	s13 =	sadd.s32 $0x20400, s13;
	s14 =	sadd.s32 $0x1FA00, s2;
	s16 =	sshrl.u32 s16, $0x3  }
.LBB2_1:
0x17: {  	s0 =	rddreg [dreg:$0x5]  }
0x18: {  	[spmem:s16], [sflag:s10] =	dma.local [hbm:s0], $0x2800  }
0x19: {  	s0 =	rddreg [dreg:$0x6]  }
0x1a: {  	[spmem:s17], [sflag:s10] =	dma.local [hbm:s0], $0x50  }
0x1b: {  	[tilespmem:s18], [sflag:$0x6] =	stream.linear.gather [hbm4b:s8+s5], $0x80, $0x38;
	[tilespmem:$0x1FA80] =	vst v63  }
0x1c: {  	_ =	swait.ge [sflag:s19], $0x80  }
0x1d: {  	[sflag:s19] =	ssyncset.done $0x0  }
0x1e: {  	[sflag:s19] =	ssyncadd.s32 $0xFFFFFF80  }
0x1f: {  	[tilespmem:s20], [sflag:$0x4] =	stream.linear.gather [hbm4b:s11+s5], $0x2710, $0x38;
	[tilespmem:$0x1FA80] =	vst v63  }
0x20: {  	s7 =	simm.s32 $0x16A00  }
0x21: {  	[tilespmem:s7], [sflag:$0x4] =	stream.linear.gather [hbm4b:s12+s5], $0x3E80, $0x38;
	[tilespmem:$0x1FA80] =	vst v63  }
0x22: {  	_ =	swait.ge [sflag:s22], $0x2710  }
0x23: {  	[sflag:s22] =	ssyncset.done $0x0  }
0x24: {  	[sflag:s22] =	ssyncadd.s32 $0xFFFFD8F0  }
0x25: {  	_ =	swait.ge [sflag:s22], $0x3E80  }
0x26: {  	[sflag:s22] =	ssyncset.done $0x0  }
0x27: {  	[sflag:s22] =	ssyncadd.s32 $0xFFFFC180  }
0x28: {  	[tilespmem:s24], [sflag:$0x1] =	stream.indirect.gather [hbm4b:s1+s23], $0x80, s20, s23, $0xb8;
	[tilespmem:$0x1FA80] =	vst v63  }
0x29: {  	_ =	swait.ge [sflag:s25], $0x2800  }
0x2a: {  	[sflag:s25] =	ssyncset.done $0x0  }
0x2b: {  	[sflag:s25] =	ssyncadd.s32 $0xFFFFD800  }
0x2c: {  	_ =	swait.ge [sflag:s25], $0x50  }
0x2d: {  	[sflag:s25] =	ssyncset.done $0x0  }
0x2e: {  	[sflag:s25] =	ssyncadd.s32 $0xFFFFFFB0  }
0x2f: {  	s2 =	simm.s32 $0x142D0;
	[bflag:$0x0] =	sbarrier.arrive $0xFFFF  }
0x30: {  	[tilespmem:s26], [sflag:$0x2] =	stream.indirect.gather [hbm4b:s1+s23], $0x80, s2, s23, $0xb8;
	[tilespmem:$0x1FA80] =	vst v63  }
0x31: {  	_ =	swait.ge [sflag:s28], $0x2800  }
0x32: {  	[sflag:s28] =	ssyncset.done $0x0  }
0x33: {  	s6 =	simm.s32 $0x16A00;
	[sflag:s28] =	ssyncadd.s32 $0xFFFFD800  }
0x34: {  	[spmem:s3] =	stream.indirect.scatter.add.f32 [tilespmem:s24], [sflag:$0x6], $0x80, s6, s23, $0xb8;
	[tilespmem:$0x1FA80] =	vst v63  }
0x35: {  	_ =	swait.ge [sflag:s19], $0x2800  }
0x36: {  	[sflag:s19] =	ssyncset.done $0x0  }
0x37: {  	[sflag:s19] =	ssyncadd.s32 $0xFFFFD800  }
0x38: {  	[spmem:s4] =	stream.indirect.scatter.add.f32 [tilespmem:s18], [sflag:$0x5], $0x1, s6, s23, $0xb8;
	[tilespmem:$0x1FA80] =	vst v63  }
0x39: {  	s7 =	simm.s32 $0x14320  }
0x3a: {  	[tilespmem:s24], [sflag:$0x1] =	stream.indirect.gather [hbm4b:s1+s23], $0x80, s7, s23, $0xb8;
	[tilespmem:$0x1FA80] =	vst v63  }
0x3b: {  	_ =	swait.ge [sflag:s29], $0x2800  }
0x3c: {  	[sflag:s29] =	ssyncset.done $0x0  }
0x3d: {  	s6 =	simm.s32 $0x16A80;
	[sflag:s29] =	ssyncadd.s32 $0xFFFFD800  }
0x3e: {  	[spmem:s3] =	stream.indirect.scatter.add.f32 [tilespmem:s26], [sflag:$0x6], $0x80, s6, s23, $0xb8;
	[tilespmem:$0x1FA80] =	vst v63  }
0x3f: {  	_ =	swait.ge [sflag:s19], $0x2800  }
0x40: {  	[sflag:s19] =	ssyncset.done $0x0  }
0x41: {  	s0 =	simm.s32 $0x143C0;
	s2 =	simm.s32 $0x400;
	[sflag:s19] =	ssyncadd.s32 $0xFFFFD800  }
.LBB2_2:
0x42: {  	[spmem:s4] =	stream.indirect.scatter.add.f32 [tilespmem:s18], [sflag:$0x5], $0x1, s6, s23, $0xb8;
	[tilespmem:$0x1FA80] =	vst v63  }
0x43: {  	s6 =	smov.u32 s2  }
0x44: {  	s7 =	sadd.s32 $0xFFFFFFB0, s0;
	p0 =	sne.s32 s2, $0xF400;
	s2 =	sadd.s32 $0x400, s2  }
0x45: {  	[tilespmem:s26], [sflag:$0x2] =	stream.indirect.gather [hbm4b:s1+s23], $0x80, s7, s23, $0xb8;
	[tilespmem:$0x1FA80] =	vst v63  }
0x46: {  	_ =	swait.ge [sflag:s28], $0x2800  }
0x47: {  	s6 =	sshra.s32 s6, $0x2;
	[sflag:s28] =	ssyncset.done $0x0  }
0x48: {  	s7 =	sadd.s32 $0x16A00, s6;
	[sflag:s28] =	ssyncadd.s32 $0xFFFFD800  }
0x49: {  	[spmem:s3] =	stream.indirect.scatter.add.f32 [tilespmem:s24], [sflag:$0x6], $0x80, s7, s23, $0xb8;
	[tilespmem:$0x1FA80] =	vst v63  }
0x4a: {  	_ =	swait.ge [sflag:s19], $0x2800  }
0x4b: {  	[sflag:s19] =	ssyncset.done $0x0  }
0x4c: {  	[sflag:s19] =	ssyncadd.s32 $0xFFFFD800  }
0x4d: {  	[spmem:s4] =	stream.indirect.scatter.add.f32 [tilespmem:s18], [sflag:$0x5], $0x1, s7, s23, $0xb8;
	[tilespmem:$0x1FA80] =	vst v63  }
0x4e: {  	_ = 	snop  }
0x4f: {  	[tilespmem:s24], [sflag:$0x1] =	stream.indirect.gather [hbm4b:s1+s23], $0x80, s0, s23, $0xb8;
	[tilespmem:$0x1FA80] =	vst v63  }
0x50: {  	_ =	swait.ge [sflag:s29], $0x2800  }
0x51: {  	[sflag:s29] =	ssyncset.done $0x0  }
.Ltmp0:
0x52: {  	s6 =	sadd.s32 $0x16A80, s6;
	[sflag:s29] =	ssyncadd.s32 $0xFFFFD800;
	(pc) =	sbr.rel @p0 .LBB2_2-.Ltmp0, $4  }
0x53: {  	[spmem:s3] =	stream.indirect.scatter.add.f32 [tilespmem:s26], [sflag:$0x6], $0x80, s6, s23, $0xb8;
	[tilespmem:$0x1FA80] =	vst v63  }
0x54: {  	_ =	swait.ge [sflag:s19], $0x2800  }
0x55: {  	[sflag:s19] =	ssyncset.done $0x0  }
0x56: {  	s0 =	sadd.s32 $0xA0, s0;
	[sflag:s19] =	ssyncadd.s32 $0xFFFFD800  }
0x57: {  	[spmem:s4] =	stream.indirect.scatter.add.f32 [tilespmem:s18], [sflag:$0x5], $0x1, s6, s23, $0xb8;
	[tilespmem:$0x1FA80] =	vst v63  }
0x58: {  	_ =	swait.ge [sflag:s28], $0x2800  }
0x59: {  	[sflag:s28] =	ssyncset.done $0x0  }
0x5a: {  	[sflag:s28] =	ssyncadd.s32 $0xFFFFD800  }
0x5b: {  	[spmem:s3] =	stream.indirect.scatter.add.f32 [tilespmem:s24], [sflag:$0x6], $0x80, s30, s23, $0xb8;
	[tilespmem:$0x1FA80] =	vst v63  }
0x5c: {  	_ =	swait.ge [sflag:s19], $0x2800  }
0x5d: {  	[sflag:s19] =	ssyncset.done $0x0  }
0x5e: {  	[sflag:s19] =	ssyncadd.s32 $0xFFFFD800  }
0x5f: {  	[spmem:s4] =	stream.indirect.scatter.add.f32 [tilespmem:s18], [sflag:$0x5], $0x1, s30, s23, $0xb8;
	[tilespmem:$0x1FA80] =	vst v63  }
0x60: {  	_ =	swait.ge [sflag:s31], $0x2710  }
0x61: {  	[sflag:s31] =	ssyncset.done $0x0  }
0x62: {  	[sflag:s31] =	ssyncadd.s32 $0xFFFFD8F0  }
0x63: {  	s0 =	sor.u32 $0x1C06, s9;
	[bflag:$0x0] =	sbarrier.arrive $0xFFFF  }
0x64: {  	[hbm:s13], [sflag:s0] =	dma.local [spmem:s16], $0x2800  }
0x65: {  	s21 =	sadd.s32 $0x1, s21;
	_ =	swait.ge [sflag:s19], $0x2800  }
0x66: {  	s2 =	simm.s32 $0x20;
	p0 =	sne.s32 s21, s15;
	[sflag:s19] =	ssyncset.done $0x0  }
.Ltmp1:
0x67: {  	s7 =	simm.s32 $0x10;
	[sflag:s19] =	ssyncadd.s32 $0xFFFFD800;
	(pc) =	sbr.rel @p0 .LBB2_1-.Ltmp1, $4  }
0x68: {  	[hbm:s14@s2], [sflag:s0] =	dma.strided [spmem:s17@s7], $0x50, s28, $0x10   }
0x69: {  	_ =	swait.ge [sflag:s19], $0x50  }
0x6a: {  	[sflag:s19] =	ssyncset.done $0x0  }
0x6b: {  	[sflag:s19] =	ssyncadd.s32 $0xFFFFFFB0  }
0x6c: {  	_ =	sfence.sel $0x180000  }
0x6d: {  	[bflag:$0x0] =	sbarrier.arrive $0xFFFF  }
0x6e: {  	_ =	strace $0x9000004A  }
0x6f: {  	s0 =	stileid.u32;
	[bflag:$0x2] =	sbarrier.arrive $0xFFFF  }
0x70: {  	p0 =	sne.s32 s0, $0x0;
	s0 =	rddreg [dreg:$0x4]  }
0x71: {  	s0 =	sadd.s32 @!p0 $0x100000, s0  }
0x72: {  	[sflag:s0] =	ssyncadd.tile.s32 @!p0 $0x1;
	_ =	shalt  }
.Lfunc_end2:
_tile_overlayer_lowered:
.L_overlay_start_2:
0x73: {  	(tag) =	ssettag $0x2  }
0x74: {  	s0 =	rddreg [dreg:$0x0];
	s2 =	stileid.u32  }
0x75: {  	s1 =	rddreg [dreg:$0x1];
	p0 =	sne.s32 s2, $0x0  }
0x76: {  	s3 =	rddreg [dreg:$0x2];
	[bflag:$0x3] =	sbarrier.arrive $0xFFFF;
	s2 =	simm.s32 @!p0 $0x1C06  }
0x77: {  	[timem:s3], [sflag:s2] =	dma.local @!p0 [hbm:s0], s1  }
0x78: {  	s0 =	simm.s32 @!p0 $0x6  }
0x79: {  	_ =	swait.ge @!p0 [sflag:s0], s1  }
0x7a: {  	s1 =	ssub.s32 @!p0 $0x0, s1;
	[sflag:s0] =	ssyncset.done @!p0 $0x0  }
0x7b: {  	[sflag:s0] =	ssyncadd.s32 @!p0 s1  }
0x7c: {  	[bflag:$0x3] =	sbarrier.arrive $0xFFFF  }
0x7d: {  	_ =	shalt  }

// kernel: kernel.7.cloned.1.call-start
scs
__scs_entry_jumppad:
0x0: {  	(pc) =	sbr.rel $0x88, $3  }
0x1: {  	(tag) =	ssettag $0x0;
	lr =	simm.s32 $0x1  }
0x2: {  	[smem:$0x3F95] =	sst lr;
	_ =	strace $0xD0000000  }
0x3: {  	_ = 	snop  }
0x4: {  	_ = 	snop  }
0x5: {  	_ = 	snop  }
0x6: {  	_ = 	snop  }
0x7: {  	_ = 	snop  }
__scs_overlays_trampoline_lowered:
0x8: {  	[smem:$0x3FA4] =	sst s0  }
0x9: {  	[smem:$0x3FA5] =	sst s1  }
0xa: {  	[smem:$0x3FA6] =	sst s2  }
0xb: {  	[smem:$0x3FA7] =	sst s3  }
0xc: {  	[smem:$0x3FA8] =	sst s4  }
0xd: {  	[smem:$0x3FA9] =	sst s5  }
0xe: {  	[smem:$0x3FAA] =	sst s6  }
0xf: {  	[smem:$0x3FAB] =	sst s7  }
0x10: {  	[smem:$0x3FAC] =	sst s8  }
0x11: {  	[smem:$0x3FAD] =	sst s9;
	s0 =	simm.s32 @!p0 $0x0  }
0x12: {  	s1 =	sld [smem:$0x3F93];
	s0 =	simm.s32 @p0 $0x1  }
0x13: {  	[smem:$0x3FAE] =	sst s0;
	s0 =	simm.s32 @!p1 $0x0  }
0x14: {  	s2 =	sld [smem:$0x3F92];
	s0 =	simm.s32 @p1 $0x1  }
0x15: {  	[smem:$0x3FAF] =	sst s0;
	s0 =	simm.s32 @!p2 $0x0  }
0x16: {  	s3 =	sld [smem:$0x3FDB];
	s0 =	simm.s32 @p2 $0x1  }
0x17: {  	s4 =	simm.s32 $0x1BF5;
	[smem:$0x3FB1] =	sst s0  }
0x18: {  	s0 =	sld [smem:$0x3F94];
	_ =	swait.ge [sflag:s4], $0x0  }
0x19: {  	s7 =	sld [smem:$0x3F95]  }
0x1a: {  	s8 =	sadd.s32 $0xFFFFE003, lr  }
0x1b: {  	s9 =	sadd.s32 $0xFFFFFEF7, lr;
	s5 =	simm.s32 $0xFFFFFFFF;
	p2 =	slt.u32 s8, $0xFFFFF086  }
0x1c: {  	p1 =	slt.u32 s9, $0xF7A;
	s5 =	simm.s32 @!p2 $0x0  }
0x1d: {  	s5 =	simm.s32 @p1 $0x1;
	p0 =	seq.s32 s7, s2  }
0x1e: {  	s7 =	smul.u32 @!p0 $0xF7A, s2;
	p2 =	seq.s32 @!p0 s5, $0x0  }
0x1f: {  	s9 =	smul.u32 $0xF7A, s1;
	s8 =	simm.s32 @!p0 $0x1BF5;
	p2 =	por !p2, p0  }
0x20: {  	[sflag:s8] =	ssyncset.s32 @!p0 $0xFFFFF086;
	s6 =	sadd.s32 @!p0 s3, s7;
	s7 =	simm.s32 @!p0 $0x108  }
0x21: {  	s3 =	sadd.s32 s3, s9;
	s6 =	sadd.s32 @!p0 $0x88, s6;
	s7 =	simm.s32 @p2 $0x1082  }
0x22: {  	[simem:s7], [sflag:s8] =	dma.local @!p0 [hbm:s6], $0xF7A  }
0x23: {  	s9 =	sor.u32 $0xD0000000, s2;
	s6 =	simm.s32 $0x108;
	_ =	swait.ge @!p0 [sflag:s8], $0x0  }
0x24: {  	s3 =	sadd.s32 $0x88, s3;
	s6 =	simm.s32 @!p1 $0x1082;
	[sflag:s4] =	ssyncset.s32 $0xFFFFF086  }
0x25: {  	[simem:s6], [sflag:s4] =	dma.local [hbm:s3], $0xF7A  }
0x26: {  	[smem:$0x3F95] =	sst s1;
	(tag) =	ssettag s2;
	_ =	strace s9  }
0x27: {  	s1 =	sld [smem:$0x3FA5]  }
0x28: {  	s2 =	sld [smem:$0x3FA6]  }
0x29: {  	s4 =	sld [smem:$0x3FA8]  }
0x2a: {  	p0 =	seq.s32 s5, $0x0;
	s5 =	sld [smem:$0x3FA9]  }
0x2b: {  	s6 =	sld [smem:$0x3FAA]  }
0x2c: {  	s7 =	sld [smem:$0x3FAB]  }
0x2d: {  	s3 =	simm.s32 $0x108;
	s8 =	sld [smem:$0x3FAC]  }
0x2e: {  	s3 =	simm.s32 @!p0 $0x1082;
	s9 =	sld [smem:$0x3FAD]  }
0x2f: {  	lr =	sadd.s32 s0, s3;
	s0 =	sld [smem:$0x3FA4]  }
0x30: {  	s3 =	sld [smem:$0x3FA7]  }
0x31: {  	[smem:$0x3FB0] =	sst s10  }
0x32: {  	s10 =	sld [smem:$0x3FAE];
	_ =	sdelay $0x3  }
0x33: {  	p0 =	seq.s32 s10, $0x1;
	s10 =	sld [smem:$0x3FB0];
	_ =	sdelay $0x3  }
0x34: {  	[smem:$0x3FB0] =	sst s10  }
0x35: {  	s10 =	sld [smem:$0x3FAF];
	_ =	sdelay $0x3  }
0x36: {  	p1 =	seq.s32 s10, $0x1;
	s10 =	sld [smem:$0x3FB0];
	_ =	sdelay $0x3  }
0x37: {  	[smem:$0x3FB0] =	sst s10  }
0x38: {  	s10 =	sld [smem:$0x3FB1]  }
0x39: {  	_ = 	snop;
	(pc) =	sbr.ind lr, $3  }
0x3a: {  	_ = 	snop  }
0x3b: {  	_ = 	snop  }
0x3c: {  	p2 =	seq.s32 s10, $0x1;
	s10 =	sld [smem:$0x3FB0]  }
0x3d: {  	_ =	shalt  }
0x3e: {  	_ =	shalt  }
0x3f: {  	_ =	shalt  }
0x40: {  	_ =	shalt  }
0x41: {  	_ =	shalt  }
0x42: {  	_ =	shalt  }
0x43: {  	_ =	shalt  }
0x44: {  	_ =	shalt  }
0x45: {  	_ =	shalt  }
0x46: {  	_ =	shalt  }
0x47: {  	_ =	shalt  }
0x48: {  	_ =	shalt  }
0x49: {  	_ =	shalt  }
0x4a: {  	_ =	shalt  }
0x4b: {  	_ =	shalt  }
0x4c: {  	_ =	shalt  }
0x4d: {  	_ =	shalt  }
0x4e: {  	_ =	shalt  }
0x4f: {  	_ =	shalt  }
0x50: {  	_ =	shalt  }
0x51: {  	_ =	shalt  }
0x52: {  	_ =	shalt  }
0x53: {  	_ =	shalt  }
0x54: {  	_ =	shalt  }
0x55: {  	_ =	shalt  }
0x56: {  	_ =	shalt  }
0x57: {  	_ =	shalt  }
0x58: {  	_ =	shalt  }
0x59: {  	_ =	shalt  }
0x5a: {  	_ =	shalt  }
0x5b: {  	_ =	shalt  }
0x5c: {  	_ =	shalt  }
0x5d: {  	_ =	shalt  }
0x5e: {  	_ =	shalt  }
0x5f: {  	_ =	shalt  }
0x60: {  	_ =	shalt  }
0x61: {  	_ =	shalt  }
0x62: {  	_ =	shalt  }
0x63: {  	_ =	shalt  }
0x64: {  	_ =	shalt  }
0x65: {  	_ =	shalt  }
0x66: {  	_ =	shalt  }
0x67: {  	_ =	shalt  }
0x68: {  	_ =	shalt  }
0x69: {  	_ =	shalt  }
0x6a: {  	_ =	shalt  }
0x6b: {  	_ =	shalt  }
0x6c: {  	_ =	shalt  }
0x6d: {  	_ =	shalt  }
0x6e: {  	_ =	shalt  }
0x6f: {  	_ =	shalt  }
0x70: {  	_ =	shalt  }
0x71: {  	_ =	shalt  }
0x72: {  	_ =	shalt  }
0x73: {  	_ =	shalt  }
0x74: {  	_ =	shalt  }
0x75: {  	_ =	shalt  }
0x76: {  	_ =	shalt  }
0x77: {  	_ =	shalt  }
0x78: {  	_ =	shalt  }
0x79: {  	_ =	shalt  }
0x7a: {  	_ =	shalt  }
0x7b: {  	_ =	shalt  }
0x7c: {  	_ =	shalt  }
0x7d: {  	_ =	shalt  }
0x7e: {  	_ =	shalt  }
0x7f: {  	_ =	shalt  }
0x80: {  	_ =	shalt  }
0x81: {  	_ =	shalt  }
0x82: {  	_ =	shalt  }
0x83: {  	_ =	shalt  }
0x84: {  	_ =	shalt  }
0x85: {  	_ =	shalt  }
0x86: {  	_ =	shalt  }
0x87: {  	_ =	shalt  }
.Lfunc_end0:
.L_simem_size_0:
called_computation_lowered:
.L_overlay_start_0:
0x88: {  	s2 =	sld [smem:$0x3FD9]  }
0x89: {  	s3 =	sld [smem:$0x3FFE];
	_ =	sdelay $0x1  }
0x8a: {  	s1 =	srdreg.scid  }
0x8b: {  	s0 =	sand.u32 $0x1, s1  }
0x8c: {  	s17 =	sshll.u32 s0, $0xA;
	s2 =	sadd.s32 s3, s2  }
0x8d: {  	s2 =	sadd.s32 s2, s17  }
0x8e: {  	[smem:$0x3FBC] =	sst s2  }
0x8f: {  	_ = 	snop  }
0x90: {  	s2 =	sld [smem:$0x3FD0];
	(tm) =	ssettm $0x1  }
0x91: {  	s18 =	sld [smem:$0x3FFB];
	_ =	sdelay $0x3  }
0x92: {  	_ =	strace s18  }
0x93: {  	s3 =	sld [smem:$0x3FFC];
	_ =	sdelay $0x3  }
0x94: {  	_ =	strace s3  }
0x95: {  	s3 =	sld [smem:$0x3FFD];
	_ =	sdelay $0x3  }
0x96: {  	_ =	strace s3  }
0x97: {  	_ =	strace $0x8FFFFFFF  }
0x98: {  	s19 =	sld [smem:$0x3FDB];
	_ =	sdelay $0x1  }
0x99: {  	s4 =	simm.s32 $_scs_section_size  }
0x9a: {  	s5 =	simm.s32 $_size__tile_overlayer_lowered;
	s6 =	simm.s32 $_tile_overlayer_lowered  }
0x9b: {  	s22 =	simm.s32 $0x1BFF;
	s21 =	sshll.u32 s6, $0x1;
	s3 =	sadd.s32 s4, s19  }
0x9c: {  	s7 =	simm.s32 $0x0;
	s20 =	sshll.u32 s5, $0x1;
	s5 =	sadd.s32 s21, s3  }
0x9d: {  	[timem:s7], [sflag:s22] =	dma.local [hbm:s5], s20  }
0x9e: {  	_ =	swait.ge [sflag:s22], s20  }
0x9f: {  	s4 =	ssub.s32 $0x0, s20;
	[sflag:s22] =	ssyncset.done $0x0  }
0xa0: {  	[sflag:s22] =	ssyncadd.s32 s4;
	_ =	sdelay $0x1  }
0xa1: {  	s23 =	simm.s32 $0x1B8B  }
0xa2: {  	_ =	swait.ge [sflag:s23], $0x1  }
0xa3: {  	[sflag:s23] =	ssyncset.done $0x0  }
0xa4: {  	s25 =	simm.s32 $0x1B8E;
	s24 =	sld [smem:$0x3FFE];
	[sflag:s23] =	ssyncadd.s32 $0xFFFFFFFF  }
0xa5: {  	s26 =	simm.s32 $execute0_lowered;
	[smem:$0x3FD2] =	sst s25  }
0xa6: {  	s5 =	sshll.u32 s26, $0x1;
	_ =	strace $0x80000046;
	[dreg:$0x1] =	wrdreg $0xFFFFFFFF  }
0xa7: {  	s28 =	simm.s32 $_size_execute0_lowered;
	s3 =	sadd.s32 s3, s5;
	[dreg:$0x0] =	wrdreg $0x0  }
0xa8: {  	s5 =	sshll.u32 s28, $0x1;
	[dreg:$0x2] =	wrdreg s3  }
0xa9: {  	[dreg:$0x3] =	wrdreg s5  }
0xaa: {  	[dreg:$0x4] =	wrdreg $0xC0  }
0xab: {  	_ =	task [dreg:s7], $0x5FFFF  }
0xac: {  	[dreg:$0x1] =	wrdreg $0xFFFFFFFF  }
0xad: {  	[dreg:$0x0] =	wrdreg $0x60  }
0xae: {  	[dreg:$0x2] =	wrdreg s2  }
0xaf: {  	[dreg:$0x3] =	wrdreg s24  }
0xb0: {  	[dreg:$0x4] =	wrdreg $0x0  }
0xb1: {  	[dreg:$0x5] =	wrdreg $0x140000  }
0xb2: {  	[dreg:$0x6] =	wrdreg $0x9  }
0xb3: {  	_ =	task.clear_ibuf [dreg:s7], $0x7FFFF;
	_ =	strace $0x90000046  }
0xb4: {  	s29 =	simm.s32 $0x9;
	_ =	strace $0x80000048  }
0xb5: {  	_ =	swait.ge [sflag:s29], $0x1  }
0xb6: {  	[sflag:s29] =	ssyncadd.s32 $0xFFFFFFFF  }
0xb7: {  	_ =	strace $0x90000048  }
0xb8: {  	_ =	sfence  }
0xb9: {  	s30 =	sld [smem:$0x0];
	_ =	sdelay $0x2  }
0xba: {  	s31 =	sshll.u32 s1, $0xD;
	s1 =	sshrl.u32 s1, $0x2  }
0xbb: {  	s3 =	sand.u32 $0x4000, s31;
	s1 =	sadd.s32 s1, s30  }
0xbc: {  	s0 =	sor.u32 s3, s0;
	s1 =	sshll.u32 s1, $0x11  }
0xbd: {  	s0 =	sor.u32 s1, s0  }
0xbe: {  	s0 =	sadd.s32 $0x8F2B, s0  }
0xbf: {  	[sflag:s0] =	ssyncadd.remote.s32 $0x1  }
0xc0: {  	_ =	sfence.sel $0xFFFF  }
0xc1: {  	[dreg:$0x0] =	wrdreg $0xFFFFFFFF;
	(pc) =	sbr.abs _section_cstart, $3  }
0xc2: {  	[dreg:$0x1] =	wrdreg $0xFFFFFFFF  }
0xc3: {  	_ =	task.clear_ibuf [dreg:s7], $0x2FFFF;
	_ =	strace $0x9FFFFFFF  }
0xc4: {  	(tm) =	ssettm $0x7FFFFFFF  }
0xc5: {  	_ =	shalt  }
tec
execute0_lowered:
.L_overlay_start_1:
0x0: {  	(tag) =	ssettag $0x1  }
0x1: {  	s1 =	rddreg [dreg:$0x0]  }
0x2: {  	s0 =	srdreg.scid;
	s2 =	rddreg [dreg:$0x1]  }
0x3: {  	s14 =	stileid.u32;
	s3 =	rddreg [dreg:$0x2]  }
0x4: {  	s5 =	simm.s32 $0x0;
	s18 =	simm.s32 $0x1AA00;
	s19 =	simm.s32 $0x6  }
0x5: {  	s20 =	simm.s32 $0x14280;
	s28 =	simm.s32 $0x1;
	s9 =	smul.u32 $0x14000, s14  }
0x6: {  	s29 =	simm.s32 $0x2;
	s30 =	simm.s32 $0x1A800;
	s22 =	smul.u32 $0x500, s14  }
0x7: {  	s31 =	simm.s32 $0x5;
	s0 =	sand.u32 $0x1, s0;
	s24 =	smul.u32 $0x50000, s14  }
0x8: {  	[smem:$0x7FF] =	sst s5;
	s21 =	sadd.s32 $0x1D200, s2;
	s26 =	smul.u32 $0xA00, s14  }
0x9: {  	s23 =	sadd.s32 $0x1D000, s2;
	s4 =	sshll.u32 s0, $0x4;
	s8 =	smul.u32 $0x140000, s0  }
0xa: {  	s12 =	sshll.u32 s0, $0x7;
	s6 =	sor.u32 s14, s4;
	s4 =	rddreg [dreg:$0x3]  }
0xb: {  	s0 =	ssub.s32 $0x2, s0;
	_ =	strace $0x80000047;
	[dreg:$0x5] =	wrdreg s21  }
0xc: {  	[dreg:$0x6] =	wrdreg s23;
	s25 =	sshrl.u32 s0, $0x1;
	s23 =	simm.s32 $0x50  }
0xd: {  	s21 =	simm.s32 $0x0;
	s7 =	smul.u32 $0x4E2, s6;
	s6 =	sshll.u32 s6, $0xB  }
0xe: {  	s8 =	sadd.s32 s9, s8;
	s9 =	sor.u32 s12, s22;
	s0 =	ssub.s32 s0, s25  }
0xf: {  	s12 =	sshrl.u32 s26, $0x2;
	s22 =	simm.s32 $0x4;
	s25 =	simm.s32 $0x3  }
0x10: {  	s26 =	simm.s32 $0x1D280;
	s6 =	sadd.s32 s6, s2;
	s10 =	sshrl.u32 s8, $0x3  }
0x11: {  	s8 =	sadd.s32 $0x1CE00, s2;
	s9 =	sshrl.u32 s9, $0x3;
	s17 =	sadd.s32 s12, s4  }
0x12: {  	s15 =	smax.u32 s0, $0x1;
	s11 =	sadd.s32 s7, s2;
	s13 =	sadd.s32 s10, s2  }
0x13: {  	s2 =	sadd.s32 s9, s2;
	s10 =	sshrl.u32 s24, $0x2;
	s9 =	sshll.u32 s14, $0x6  }
0x14: {  	s12 =	sadd.s32 $0xCE00, s6;
	s17 =	sshrl.u32 s17, $0x3;
	s24 =	simm.s32 $0x1AA80  }
0x15: {  	s16 =	sadd.s32 s10, s3;
	s10 =	sor.u32 $0x1C03, s9;
	s11 =	sadd.s32 $0x3000, s11  }
0x16: {  	s13 =	sadd.s32 $0x20400, s13;
	s14 =	sadd.s32 $0x1FA00, s2;
	s16 =	sshrl.u32 s16, $0x3  }
.LBB2_1:
0x17: {  	s0 =	rddreg [dreg:$0x5]  }
0x18: {  	[spmem:s16], [sflag:s10] =	dma.local [hbm:s0], $0x2800  }
0x19: {  	s0 =	rddreg [dreg:$0x6]  }
0x1a: {  	[spmem:s17], [sflag:s10] =	dma.local [hbm:s0], $0x50  }
0x1b: {  	[tilespmem:s18], [sflag:$0x6] =	stream.linear.gather [hbm4b:s8+s5], $0x80, $0x38;
	[tilespmem:$0x1FA80] =	vst v63  }
0x1c: {  	_ =	swait.ge [sflag:s19], $0x80  }
0x1d: {  	[sflag:s19] =	ssyncset.done $0x0  }
0x1e: {  	[sflag:s19] =	ssyncadd.s32 $0xFFFFFF80  }
0x1f: {  	[tilespmem:s20], [sflag:$0x4] =	stream.linear.gather [hbm4b:s11+s5], $0x2710, $0x38;
	[tilespmem:$0x1FA80] =	vst v63  }
0x20: {  	s7 =	simm.s32 $0x16A00  }
0x21: {  	[tilespmem:s7], [sflag:$0x4] =	stream.linear.gather [hbm4b:s12+s5], $0x3E80, $0x38;
	[tilespmem:$0x1FA80] =	vst v63  }
0x22: {  	_ =	swait.ge [sflag:s22], $0x2710  }
0x23: {  	[sflag:s22] =	ssyncset.done $0x0  }
0x24: {  	[sflag:s22] =	ssyncadd.s32 $0xFFFFD8F0  }
0x25: {  	_ =	swait.ge [sflag:s22], $0x3E80  }
0x26: {  	[sflag:s22] =	ssyncset.done $0x0  }
0x27: {  	[sflag:s22] =	ssyncadd.s32 $0xFFFFC180  }
0x28: {  	[tilespmem:s24], [sflag:$0x1] =	stream.indirect.gather [hbm4b:s1+s23], $0x80, s20, s23, $0xb8;
	[tilespmem:$0x1FA80] =	vst v63  }
0x29: {  	_ =	swait.ge [sflag:s25], $0x2800  }
0x2a: {  	[sflag:s25] =	ssyncset.done $0x0  }
0x2b: {  	[sflag:s25] =	ssyncadd.s32 $0xFFFFD800  }
0x2c: {  	_ =	swait.ge [sflag:s25], $0x50  }
0x2d: {  	[sflag:s25] =	ssyncset.done $0x0  }
0x2e: {  	[sflag:s25] =	ssyncadd.s32 $0xFFFFFFB0  }
0x2f: {  	s2 =	simm.s32 $0x142D0;
	[bflag:$0x0] =	sbarrier.arrive $0xFFFF  }
0x30: {  	[tilespmem:s26], [sflag:$0x2] =	stream.indirect.gather [hbm4b:s1+s23], $0x80, s2, s23, $0xb8;
	[tilespmem:$0x1FA80] =	vst v63  }
0x31: {  	_ =	swait.ge [sflag:s28], $0x2800  }
0x32: {  	[sflag:s28] =	ssyncset.done $0x0  }
0x33: {  	s6 =	simm.s32 $0x16A00;
	[sflag:s28] =	ssyncadd.s32 $0xFFFFD800  }
0x34: {  	[spmem:s3] =	stream.indirect.scatter.add.f32 [tilespmem:s24], [sflag:$0x6], $0x80, s6, s23, $0xb8;
	[tilespmem:$0x1FA80] =	vst v63  }
0x35: {  	_ =	swait.ge [sflag:s19], $0x2800  }
0x36: {  	[sflag:s19] =	ssyncset.done $0x0  }
0x37: {  	[sflag:s19] =	ssyncadd.s32 $0xFFFFD800  }
0x38: {  	[spmem:s4] =	stream.indirect.scatter.add.f32 [tilespmem:s18], [sflag:$0x5], $0x1, s6, s23, $0xb8;
	[tilespmem:$0x1FA80] =	vst v63  }
0x39: {  	s7 =	simm.s32 $0x14320  }
0x3a: {  	[tilespmem:s24], [sflag:$0x1] =	stream.indirect.gather [hbm4b:s1+s23], $0x80, s7, s23, $0xb8;
	[tilespmem:$0x1FA80] =	vst v63  }
0x3b: {  	_ =	swait.ge [sflag:s29], $0x2800  }
0x3c: {  	[sflag:s29] =	ssyncset.done $0x0  }
0x3d: {  	s6 =	simm.s32 $0x16A80;
	[sflag:s29] =	ssyncadd.s32 $0xFFFFD800  }
0x3e: {  	[spmem:s3] =	stream.indirect.scatter.add.f32 [tilespmem:s26], [sflag:$0x6], $0x80, s6, s23, $0xb8;
	[tilespmem:$0x1FA80] =	vst v63  }
0x3f: {  	_ =	swait.ge [sflag:s19], $0x2800  }
0x40: {  	[sflag:s19] =	ssyncset.done $0x0  }
0x41: {  	s0 =	simm.s32 $0x143C0;
	s2 =	simm.s32 $0x400;
	[sflag:s19] =	ssyncadd.s32 $0xFFFFD800  }
.LBB2_2:
0x42: {  	[spmem:s4] =	stream.indirect.scatter.add.f32 [tilespmem:s18], [sflag:$0x5], $0x1, s6, s23, $0xb8;
	[tilespmem:$0x1FA80] =	vst v63  }
0x43: {  	s6 =	smov.u32 s2  }
0x44: {  	s7 =	sadd.s32 $0xFFFFFFB0, s0;
	p0 =	sne.s32 s2, $0xF400;
	s2 =	sadd.s32 $0x400, s2  }
0x45: {  	[tilespmem:s26], [sflag:$0x2] =	stream.indirect.gather [hbm4b:s1+s23], $0x80, s7, s23, $0xb8;
	[tilespmem:$0x1FA80] =	vst v63  }
0x46: {  	_ =	swait.ge [sflag:s28], $0x2800  }
0x47: {  	s6 =	sshra.s32 s6, $0x2;
	[sflag:s28] =	ssyncset.done $0x0  }
0x48: {  	s7 =	sadd.s32 $0x16A00, s6;
	[sflag:s28] =	ssyncadd.s32 $0xFFFFD800  }
0x49: {  	[spmem:s3] =	stream.indirect.scatter.add.f32 [tilespmem:s24], [sflag:$0x6], $0x80, s7, s23, $0xb8;
	[tilespmem:$0x1FA80] =	vst v63  }
0x4a: {  	_ =	swait.ge [sflag:s19], $0x2800  }
0x4b: {  	[sflag:s19] =	ssyncset.done $0x0  }
0x4c: {  	[sflag:s19] =	ssyncadd.s32 $0xFFFFD800  }
0x4d: {  	[spmem:s4] =	stream.indirect.scatter.add.f32 [tilespmem:s18], [sflag:$0x5], $0x1, s7, s23, $0xb8;
	[tilespmem:$0x1FA80] =	vst v63  }
0x4e: {  	_ = 	snop  }
0x4f: {  	[tilespmem:s24], [sflag:$0x1] =	stream.indirect.gather [hbm4b:s1+s23], $0x80, s0, s23, $0xb8;
	[tilespmem:$0x1FA80] =	vst v63  }
0x50: {  	_ =	swait.ge [sflag:s29], $0x2800  }
0x51: {  	[sflag:s29] =	ssyncset.done $0x0  }
.Ltmp0:
0x52: {  	s6 =	sadd.s32 $0x16A80, s6;
	[sflag:s29] =	ssyncadd.s32 $0xFFFFD800;
	(pc) =	sbr.rel @p0 .LBB2_2-.Ltmp0, $4  }
0x53: {  	[spmem:s3] =	stream.indirect.scatter.add.f32 [tilespmem:s26], [sflag:$0x6], $0x80, s6, s23, $0xb8;
	[tilespmem:$0x1FA80] =	vst v63  }
0x54: {  	_ =	swait.ge [sflag:s19], $0x2800  }
0x55: {  	[sflag:s19] =	ssyncset.done $0x0  }
0x56: {  	s0 =	sadd.s32 $0xA0, s0;
	[sflag:s19] =	ssyncadd.s32 $0xFFFFD800  }
0x57: {  	[spmem:s4] =	stream.indirect.scatter.add.f32 [tilespmem:s18], [sflag:$0x5], $0x1, s6, s23, $0xb8;
	[tilespmem:$0x1FA80] =	vst v63  }
0x58: {  	_ =	swait.ge [sflag:s28], $0x2800  }
0x59: {  	[sflag:s28] =	ssyncset.done $0x0  }
0x5a: {  	[sflag:s28] =	ssyncadd.s32 $0xFFFFD800  }
0x5b: {  	[spmem:s3] =	stream.indirect.scatter.add.f32 [tilespmem:s24], [sflag:$0x6], $0x80, s30, s23, $0xb8;
	[tilespmem:$0x1FA80] =	vst v63  }
0x5c: {  	_ =	swait.ge [sflag:s19], $0x2800  }
0x5d: {  	[sflag:s19] =	ssyncset.done $0x0  }
0x5e: {  	[sflag:s19] =	ssyncadd.s32 $0xFFFFD800  }
0x5f: {  	[spmem:s4] =	stream.indirect.scatter.add.f32 [tilespmem:s18], [sflag:$0x5], $0x1, s30, s23, $0xb8;
	[tilespmem:$0x1FA80] =	vst v63  }
0x60: {  	_ =	swait.ge [sflag:s31], $0x2710  }
0x61: {  	[sflag:s31] =	ssyncset.done $0x0  }
0x62: {  	[sflag:s31] =	ssyncadd.s32 $0xFFFFD8F0  }
0x63: {  	s0 =	sor.u32 $0x1C06, s9;
	[bflag:$0x0] =	sbarrier.arrive $0xFFFF  }
0x64: {  	[hbm:s13], [sflag:s0] =	dma.local [spmem:s16], $0x2800  }
0x65: {  	s21 =	sadd.s32 $0x1, s21;
	_ =	swait.ge [sflag:s19], $0x2800  }
0x66: {  	s2 =	simm.s32 $0x20;
	p0 =	sne.s32 s21, s15;
	[sflag:s19] =	ssyncset.done $0x0  }
.Ltmp1:
0x67: {  	s7 =	simm.s32 $0x10;
	[sflag:s19] =	ssyncadd.s32 $0xFFFFD800;
	(pc) =	sbr.rel @p0 .LBB2_1-.Ltmp1, $4  }
0x68: {  	[hbm:s14@s2], [sflag:s0] =	dma.strided [spmem:s17@s7], $0x50, s28, $0x10   }
0x69: {  	_ =	swait.ge [sflag:s19], $0x50  }
0x6a: {  	[sflag:s19] =	ssyncset.done $0x0  }
0x6b: {  	[sflag:s19] =	ssyncadd.s32 $0xFFFFFFB0  }
0x6c: {  	_ =	sfence.sel $0x180000  }
0x6d: {  	[bflag:$0x0] =	sbarrier.arrive $0xFFFF  }
0x6e: {  	_ =	strace $0x90000047  }
0x6f: {  	s0 =	stileid.u32;
	[bflag:$0x2] =	sbarrier.arrive $0xFFFF  }
0x70: {  	p0 =	sne.s32 s0, $0x0;
	s0 =	rddreg [dreg:$0x4]  }
0x71: {  	s0 =	sadd.s32 @!p0 $0x100000, s0  }
0x72: {  	[sflag:s0] =	ssyncadd.tile.s32 @!p0 $0x1;
	_ =	shalt  }
.Lfunc_end2:
_tile_overlayer_lowered:
.L_overlay_start_2:
0x73: {  	(tag) =	ssettag $0x2  }
0x74: {  	s0 =	rddreg [dreg:$0x0];
	s2 =	stileid.u32  }
0x75: {  	s1 =	rddreg [dreg:$0x1];
	p0 =	sne.s32 s2, $0x0  }
0x76: {  	s3 =	rddreg [dreg:$0x2];
	[bflag:$0x3] =	sbarrier.arrive $0xFFFF;
	s2 =	simm.s32 @!p0 $0x1C06  }
0x77: {  	[timem:s3], [sflag:s2] =	dma.local @!p0 [hbm:s0], s1  }
0x78: {  	s0 =	simm.s32 @!p0 $0x6  }
0x79: {  	_ =	swait.ge @!p0 [sflag:s0], s1  }
0x7a: {  	s1 =	ssub.s32 @!p0 $0x0, s1;
	[sflag:s0] =	ssyncset.done @!p0 $0x0  }
0x7b: {  	[sflag:s0] =	ssyncadd.s32 @!p0 s1  }
0x7c: {  	[bflag:$0x3] =	sbarrier.arrive $0xFFFF  }
0x7d: {  	_ =	shalt  }

</sc_bundles>
